<compile_context>
chip_gen: v7x
topology: tpu7x:2x2x1
jax: 0.10.2.dev20260603
libtpu: 0.0.44.dev20260713+nightly
codegen_flags: <defaults>
</compile_context>

<pallas_src>
import functools

import jax
import jax.numpy as jnp
from jax import lax
from jax.experimental import pallas as pl
from jax.experimental.pallas import tpu as pltpu
from jax.experimental.pallas import tpu_sc as plsc


def _sc_gather_selected(eo2, tidx, Bn, En, Fn, Kn):
    info = plsc.get_sparse_core_info()
    nc, ns, nl = info.num_cores, info.num_subcores, info.num_lanes
    nw = nc * ns
    rows = Kn * Bn
    assert rows % nw == 0
    rpw = rows // nw
    assert rpw % nl == 0 and Bn % rpw == 0

    mesh = plsc.VectorSubcoreMesh(core_axis_name="c", subcore_axis_name="s")

    @functools.partial(
        pl.kernel,
        mesh=mesh,
        out_type=jax.ShapeDtypeStruct((rows, Fn), jnp.float32),
        scratch_types=[
            pltpu.VMEM((rpw,), jnp.int32),
            pltpu.VMEM((rpw,), jnp.int32),
            pltpu.VMEM((rpw, Fn), jnp.float32),
            pltpu.SemaphoreType.DMA,
        ],
    )
    def gather_rows(table_hbm, tidx_hbm, out_hbm, raw_v, idx_v, rows_v, sem):
        wid = lax.axis_index("s") * nc + lax.axis_index("c")
        base = wid * rpw
        pltpu.sync_copy(tidx_hbm.at[pl.ds(base, rpw)], raw_v)
        b0 = base % Bn
        for c in range(rpw // nl):
            lane = lax.broadcasted_iota(jnp.int32, (nl,), 0)
            b_vec = b0 + c * nl + lane
            e_vec = raw_v[pl.ds(c * nl, nl)]
            idx_v[pl.ds(c * nl, nl)] = b_vec * En + e_vec
        pltpu.async_copy(table_hbm.at[idx_v], rows_v, sem).wait()
        pltpu.sync_copy(rows_v, out_hbm.at[pl.ds(base, rpw)])

    return gather_rows(eo2, tidx)


def _tc_body(eoT_ref, eo_sel_ref, idx_ref, twk_ref, adj_ref,
             w1_ref, w2_ref, b1_ref, b2_ref, g_ref, bta_ref,
             out_ref, w1a_s, w1b_s, w2_s, *, Bt, En, Fn, Kn):
    f32 = jnp.float32
    dot_t = functools.partial(
        lax.dot_general,
        dimension_numbers=(((1,), (1,)), ((), ())),
        preferred_element_type=f32,
    )

    bf16 = jnp.bfloat16
    @pl.when(pl.program_id(0) == 0)
    def _cast_weights():
        w1a_s[...] = w1_ref[:, :Fn].astype(bf16)
        w1b_s[...] = w1_ref[:, Fn:].astype(bf16)
        w2_s[...] = w2_ref[...].astype(bf16)

    b1 = b1_ref[...]
    adj = adj_ref[...]
    eoT = eoT_ref[...].reshape(En * Bt, Fn)
    bms_all = dot_t(eoT, w1b_s[...])
    e_ids = lax.broadcasted_iota(jnp.int32, (Bt, En), 1)

    oh, adj_sel = [], []
    for k in range(Kn):
        oh_k = (idx_ref[:, k:k + 1] == e_ids).astype(f32)
        a_k = jnp.zeros((Bt, En), f32)
        for e in range(En):
            a_k = a_k + oh_k[:, e:e + 1] * adj[e:e + 1, :]
        oh.append(oh_k)
        adj_sel.append(a_k)

    sel2 = eo_sel_ref[...].reshape(Kn * Bt, Fn)
    a_all = dot_t(sel2.astype(bf16), w1a_s[...]) + b1

    s_ks = []
    for k in range(Kn):
        a_k = a_all[k * Bt:(k + 1) * Bt]
        s_k = jnp.zeros((Bt, Fn), f32)
        for j in range(En):
            z = jnp.maximum(a_k + bms_all[j * Bt:(j + 1) * Bt], 0.0)
            s_k = s_k + adj_sel[k][:, j:j + 1] * z
        s_ks.append(s_k)
    s_all = jnp.concatenate(s_ks, axis=0)
    rowsum = jnp.concatenate(
        [jnp.sum(adj_sel[k], axis=1, keepdims=True) for k in range(Kn)],
        axis=0)
    agg = dot_t(s_all.astype(bf16), w2_s[...]) + rowsum * b2_ref[...]
    x = sel2 + agg
    mu = jnp.mean(x, axis=1, keepdims=True)
    cen = x - mu
    var = jnp.mean(cen * cen, axis=1, keepdims=True)
    upd_all = cen * lax.rsqrt(var + 1e-5) * g_ref[...] + bta_ref[...]
    upd = [upd_all[k * Bt:(k + 1) * Bt] for k in range(Kn)]

    t_sum = adj_sel[0]
    for k in range(1, Kn):
        t_sum = t_sum + adj_sel[k]
    gates = []
    for k in range(Kn):
        infl = jnp.sum(t_sum * oh[k], axis=1, keepdims=True) / Kn
        gates.append(1.0 / (1.0 + jnp.exp(-infl)))
    twks = [twk_ref[:, k:k + 1] for k in range(Kn)]
    m = twks[0]
    for k in range(1, Kn):
        m = jnp.maximum(m, twks[k])
    exps = [jnp.exp(t - m) for t in twks]
    denom = exps[0]
    for k in range(1, Kn):
        denom = denom + exps[k]
    w = [exps[k] / denom * gates[k] for k in range(Kn)]
    norm = w[0]
    for k in range(1, Kn):
        norm = norm + w[k]
    norm = norm + 1e-12
    acc = (w[0] / norm) * upd[0]
    for k in range(1, Kn):
        acc = acc + (w[k] / norm) * upd[k]
    out_ref[...] = acc


def kernel(expert_outputs, top_k_indices, top_k_weights, adjacency,
           W1, b1, W2, b2, ln_gamma, ln_beta):
    Bn, En, Fn = expert_outputs.shape
    Kn = top_k_indices.shape[1]

    eo2 = expert_outputs.reshape(Bn * En, Fn)
    tidx = top_k_indices.T.reshape(Kn * Bn).astype(jnp.int32)
    eo_sel = _sc_gather_selected(eo2, tidx, Bn, En, Fn, Kn)
    eo_sel3 = eo_sel.reshape(Kn, Bn, Fn)

    nb = 4
    Bt = Bn // nb
    body = functools.partial(_tc_body, Bt=Bt, En=En, Fn=Fn, Kn=Kn)
    out = pl.pallas_call(
        body,
        grid=(nb,),
        in_specs=[
            pl.BlockSpec((En, Bt, Fn), lambda i: (0, i, 0)),
            pl.BlockSpec((Kn, Bt, Fn), lambda i: (0, i, 0)),
            pl.BlockSpec((Bt, Kn), lambda i: (i, 0)),
            pl.BlockSpec((Bt, Kn), lambda i: (i, 0)),
            pl.BlockSpec((En, En), lambda i: (0, 0)),
            pl.BlockSpec((Fn, 2 * Fn), lambda i: (0, 0)),
            pl.BlockSpec((Fn, Fn), lambda i: (0, 0)),
            pl.BlockSpec((1, Fn), lambda i: (0, 0)),
            pl.BlockSpec((1, Fn), lambda i: (0, 0)),
            pl.BlockSpec((1, Fn), lambda i: (0, 0)),
            pl.BlockSpec((1, Fn), lambda i: (0, 0)),
        ],
        out_specs=pl.BlockSpec((Bt, Fn), lambda i: (i, 0)),
        out_shape=jax.ShapeDtypeStruct((Bn, Fn), jnp.float32),
        scratch_shapes=[
            pltpu.VMEM((Fn, Fn), jnp.bfloat16),
            pltpu.VMEM((Fn, Fn), jnp.bfloat16),
            pltpu.VMEM((Fn, Fn), jnp.bfloat16),
        ],
    )(expert_outputs.astype(jnp.bfloat16).transpose(1, 0, 2), eo_sel3,
      top_k_indices.astype(jnp.int32), top_k_weights, adjacency,
      W1, W2,
      b1.reshape(1, Fn), b2.reshape(1, Fn),
      ln_gamma.reshape(1, Fn), ln_beta.reshape(1, Fn))
    return out

# --- scband reference (transcript-rebuilt; emitter-appended) ---
"""Pipeline reference for scband-expert-graph-33930241638455 (READ-ONLY COPY).

The authoritative reference and input builder live on the scoring server;
editing this copy changes nothing except your own understanding.
"""

import jax, jax.numpy as jnp
import numpy as np

B, E, F, K = 256, 8, 1024, 2

def setup_inputs(seed: int = 0) -> dict:
    key = jax.random.key(seed)
    ks = jax.random.split(key, 10)
    return {
        "expert_outputs": jax.random.normal(ks[0], (B, E, F), dtype=jnp.float32),
        "top_k_indices": jax.random.randint(ks[1], (B, K), 0, E),
        "top_k_weights": jax.random.normal(ks[2], (B, K), dtype=jnp.float32),
        "adjacency": jax.random.normal(ks[3], (E, E), dtype=jnp.float32),
        "W1": jax.random.normal(ks[4], (F, 2 * F), dtype=jnp.float32) * 0.02,
        "b1": jnp.zeros((F,), dtype=jnp.float32),
        "W2": jax.random.normal(ks[5], (F, F), dtype=jnp.float32) * 0.02,
        "b2": jnp.zeros((F,), dtype=jnp.float32),
        "ln_gamma": jnp.ones((F,), dtype=jnp.float32),
        "ln_beta": jnp.zeros((F,), dtype=jnp.float32),
    }

def _forward(expert_outputs, top_k_weights, adjacency, W1, b1, W2, b2, ln_gamma, ln_beta, top_k_indices):
    Bd, Ed, Fd = expert_outputs.shape
    # ExpertGNNLayer: pairwise message passing among experts
    h_i = jnp.broadcast_to(expert_outputs[:, :, None, :], (Bd, Ed, Ed, Fd))
    h_j = jnp.broadcast_to(expert_outputs[:, None, :, :], (Bd, Ed, Ed, Fd))
    h_cat = jnp.concatenate([h_i, h_j], axis=-1)          # (B, E, E, 2F)
    h = jnp.dot(h_cat, W1.T) + b1                          # Linear(2F -> F)
    h = jax.nn.relu(h)
    messages = jnp.dot(h, W2.T) + b2                       # Linear(F -> F)
    weighted = messages * adjacency[None, :, :, None]
    agg = weighted.sum(axis=2)                             # (B, E, F)
    x = expert_outputs + agg
    mu = jnp.mean(x, axis=-1, keepdims=True)
    var = jnp.var(x, axis=-1, keepdims=True)
    updated = (x - mu) / jnp.sqrt(var + 1e-5) * ln_gamma + ln_beta
    # top-k expert selection + adjacency-gated weighted sum (vectorized over batch)
    idx = top_k_indices                                    # (B, k)
    selected = updated[jnp.arange(Bd)[:, None], idx]       # gather -> (B, k, F)
    sub_adj = adjacency[idx[:, :, None], idx[:, None, :]]  # (B, k, k)
    w_sel = jax.nn.softmax(top_k_weights, axis=1)          # (B, k)
    adj_influence = sub_adj.mean(axis=1)                   # mean over rows -> (B, k)
    cooperation_gate = jax.nn.sigmoid(adj_influence)
    weights = w_sel * cooperation_gate
    weights = weights / (weights.sum(axis=1, keepdims=True) + 1e-12)
    out = (selected * weights[:, :, None]).sum(axis=1)     # (B, F)
    return out

def reference(expert_outputs, top_k_indices, top_k_weights, adjacency, W1, b1, W2, b2, ln_gamma, ln_beta):
    return _forward(expert_outputs, top_k_weights, adjacency, W1, b1, W2, b2, ln_gamma, ln_beta, top_k_indices)

if __name__ == "__main__":
    import jax
    _d = setup_inputs()
    print(jax.jit(kernel)(*tuple(_d.values())))

</pallas_src>

<mosaic_0001>
#map = affine_map<(d0, d1) -> (0, 0)>
#map1 = affine_map<(d0, d1) -> (0)>
module attributes {stable_mosaic.version = 14 : i64} {
  func.func @gather_rows(%arg0: i32, %arg1: i32, %arg2: memref<2048x1024xf32, #tpu.memory_space<hbm>>, %arg3: memref<512xi32, #tpu.memory_space<hbm>>, %arg4: memref<512x1024xf32, #tpu.memory_space<hbm>>, %arg5: memref<16xi32, #tpu.memory_space<vmem>>, %arg6: memref<16xi32, #tpu.memory_space<vmem>>, %arg7: memref<16x1024xf32, #tpu.memory_space<vmem>>, %arg8: memref<!tpu.dma_semaphore, #tpu.memory_space<semaphore_mem>>) attributes {dimension_semantics = [#tpu.dimension_semantics<core_parallel>, #tpu.dimension_semantics<subcore_parallel>], iteration_bounds = array<i64: 2, 16>, scalar_prefetch = 0 : i64, scratch_operands = 4 : i64, tpu.core_type = #tpu.core_type<sc_vector_subcore>, window_params = [{transform_indices = #map}, {transform_indices = #map1}, {transform_indices = #map}]} {
    %mul3A = arith.constant 2 : i32
    %mul3A_0 = arith.muli %arg1, %mul3A : i32
    %add3A = arith.addi %mul3A_0, %arg0 : i32
    %mul3A_1 = arith.constant 16 : i32
    %mul3A_2 = arith.muli %add3A, %mul3A_1 : i32
    "tpu.region"() ({
      %run_scoped3A = tpu.sem_alloc : memref<!tpu.dma_semaphore, #tpu.memory_space<semaphore_mem>>
      %dma_start3A_29 = tpu.memref_slice %arg3[%mul3A_2] : memref<512xi32, #tpu.memory_space<hbm>> -> memref<16xi32, #tpu.memory_space<hbm>>
      %dma_start3A_30 = tpu.memref_slice %arg3[%mul3A_2] : memref<512xi32, #tpu.memory_space<hbm>> -> memref<16xi32, #tpu.memory_space<hbm>>
      tpu.enqueue_dma source(%dma_start3A_30 : memref<16xi32, #tpu.memory_space<hbm>>) target(%arg5 : memref<16xi32, #tpu.memory_space<vmem>>) target_semaphore(%run_scoped3A : memref<!tpu.dma_semaphore, #tpu.memory_space<semaphore_mem>>)
      %dma_wait3A_31 = tpu.memref_slice %arg3[%mul3A_2] : memref<512xi32, #tpu.memory_space<hbm>> -> memref<16xi32, #tpu.memory_space<hbm>>
      %dma_wait3A_32 = tpu.memref_slice %arg3[%mul3A_2] : memref<512xi32, #tpu.memory_space<hbm>> -> memref<16xi32, #tpu.memory_space<hbm>>
      tpu.wait_dma2 semaphore(%run_scoped3A : memref<!tpu.dma_semaphore, #tpu.memory_space<semaphore_mem>>) src(%dma_wait3A_32 : memref<16xi32, #tpu.memory_space<hbm>>) dst(%arg5 : memref<16xi32, #tpu.memory_space<vmem>>)
      tpu.yield
    }) : () -> ()
    %jit3A = arith.constant 256 : i32
    %eq3A = arith.constant 0 : i32
    %eq3A_3 = arith.cmpi eq, %jit3A, %eq3A : i32
    %jit3A_4 = arith.constant 1 : i32
    %select_n3A = arith.select %eq3A_3, %jit3A_4, %jit3A : i32
    %rem3A = arith.remsi %mul3A_2, %select_n3A : i32
    %ne3A = arith.constant 0 : i32
    %ne3A_5 = arith.cmpi ne, %rem3A, %ne3A : i32
    %lt3A = arith.constant 0 : i32
    %lt3A_6 = arith.cmpi slt, %rem3A, %lt3A : i32
    %lt3A_7 = arith.constant 0 : i32
    %lt3A_8 = arith.cmpi slt, %select_n3A, %lt3A_7 : i32
    %ne3A_9 = arith.xori %lt3A_6, %lt3A_8 : i1
    %and3A = arith.andi %ne3A_9, %ne3A_5 : i1
    %add3A_10 = arith.addi %rem3A, %select_n3A : i32
    %select_n3A_11 = arith.select %and3A, %add3A_10, %rem3A : i32
    %iota3A = tpu.iota {dimensions = array<i32: 0>} : vector<16xi32>
    %add3A_12 = arith.constant 0 : i32
    %add3A_13 = arith.addi %select_n3A_11, %add3A_12 : i32
    %add3A_14 = vector.broadcast %add3A_13 : i32 to vector<16xi32>
    %add3A_15 = arith.addi %add3A_14, %iota3A : vector<16xi32>
    %get3A = arith.constant 0 : index
    %get3A_16 = tpu.vector_load %arg5[%get3A] {strides = array<i32>} : memref<16xi32, #tpu.memory_space<vmem>>, vector<16xi32>,
    %get3A_17 = vector.shape_cast %get3A_16 : vector<16xi32> to vector<16xi32>
    %mul3A_18 = arith.constant 8 : i32
    %mul3A_19 = vector.broadcast %mul3A_18 : i32 to vector<16xi32>
    %mul3A_20 = arith.muli %add3A_15, %mul3A_19 : vector<16xi32>
    %add3A_21 = arith.addi %mul3A_20, %get3A_17 : vector<16xi32>
    %swap3A = arith.constant 0 : index
    %swap3A_22 = tpu.vector_load %arg6[%swap3A] {strides = array<i32>} : memref<16xi32, #tpu.memory_space<vmem>>, vector<16xi32>,
    %swap3A_23 = vector.shape_cast %swap3A_22 : vector<16xi32> to vector<16xi32>
    %swap3A_24 = vector.shape_cast %add3A_21 : vector<16xi32> to vector<16xi32>
    tpu.vector_store %arg6[%swap3A], %swap3A_24 {strides = array<i32>} : memref<16xi32, #tpu.memory_space<vmem>>, vector<16xi32>,
    %dma_start3A = arith.constant 0 : i32
    %dma_start3A_25 = arith.constant 0 : i32
    %dma_start3A_26 = tpu.memref_slice %arg2[%dma_start3A, %dma_start3A_25] : memref<2048x1024xf32, #tpu.memory_space<hbm>> -> memref<2048x1024xf32, #tpu.memory_space<hbm>>
    tpu.enqueue_indirect_dma source(%dma_start3A_26 : memref<2048x1024xf32, #tpu.memory_space<hbm>>) target(%arg7 : memref<16x1024xf32, #tpu.memory_space<vmem>>) offsets(%arg6 : memref<16xi32, #tpu.memory_space<vmem>>) semaphore(%arg8 : memref<!tpu.dma_semaphore, #tpu.memory_space<semaphore_mem>>)
    %dma_wait3A = arith.constant 0 : i32
    %dma_wait3A_27 = arith.constant 0 : i32
    %dma_wait3A_28 = tpu.memref_slice %arg2[%dma_wait3A, %dma_wait3A_27] : memref<2048x1024xf32, #tpu.memory_space<hbm>> -> memref<2048x1024xf32, #tpu.memory_space<hbm>>
    tpu.wait_indirect_dma semaphore(%arg8 : memref<!tpu.dma_semaphore, #tpu.memory_space<semaphore_mem>>) src(%dma_wait3A_28 : memref<2048x1024xf32, #tpu.memory_space<hbm>>) dst(%arg7 : memref<16x1024xf32, #tpu.memory_space<vmem>>)
    "tpu.region"() ({
      %run_scoped3A = tpu.sem_alloc : memref<!tpu.dma_semaphore, #tpu.memory_space<semaphore_mem>>
      %dma_start3A_29 = arith.constant 0 : i32
      %dma_start3A_30 = tpu.memref_slice %arg4[%mul3A_2, %dma_start3A_29] : memref<512x1024xf32, #tpu.memory_space<hbm>> -> memref<16x1024xf32, #tpu.memory_space<hbm>>
      %dma_start3A_31 = arith.constant 0 : i32
      %dma_start3A_32 = tpu.memref_slice %arg4[%mul3A_2, %dma_start3A_31] : memref<512x1024xf32, #tpu.memory_space<hbm>> -> memref<16x1024xf32, #tpu.memory_space<hbm>>
      tpu.enqueue_dma source(%arg7 : memref<16x1024xf32, #tpu.memory_space<vmem>>) target(%dma_start3A_32 : memref<16x1024xf32, #tpu.memory_space<hbm>>) target_semaphore(%run_scoped3A : memref<!tpu.dma_semaphore, #tpu.memory_space<semaphore_mem>>)
      %dma_wait3A_33 = arith.constant 0 : i32
      %dma_wait3A_34 = tpu.memref_slice %arg4[%mul3A_2, %dma_wait3A_33] : memref<512x1024xf32, #tpu.memory_space<hbm>> -> memref<16x1024xf32, #tpu.memory_space<hbm>>
      %dma_wait3A_35 = arith.constant 0 : i32
      %dma_wait3A_36 = tpu.memref_slice %arg4[%mul3A_2, %dma_wait3A_35] : memref<512x1024xf32, #tpu.memory_space<hbm>> -> memref<16x1024xf32, #tpu.memory_space<hbm>>
      tpu.wait_dma2 semaphore(%run_scoped3A : memref<!tpu.dma_semaphore, #tpu.memory_space<semaphore_mem>>) src(%arg7 : memref<16x1024xf32, #tpu.memory_space<vmem>>) dst(%dma_wait3A_36 : memref<16x1024xf32, #tpu.memory_space<hbm>>)
      tpu.yield
    }) : () -> ()
    return
  }
}

module attributes {stable_mosaic.version = 14 : i64} {
  func.func @_tc_body(%arg0: i32, %arg1: memref<8x64x1024xbf16, #tpu.memory_space<vmem>>, %arg2: memref<2x64x1024xf32, #tpu.memory_space<vmem>>, %arg3: memref<64x2xi32, #tpu.memory_space<vmem>>, %arg4: memref<64x2xf32, #tpu.memory_space<vmem>>, %arg5: memref<8x8xf32, #tpu.memory_space<vmem>>, %arg6: memref<1024x2048xf32, #tpu.memory_space<vmem>>, %arg7: memref<1024x1024xf32, #tpu.memory_space<vmem>>, %arg8: memref<1x1024xf32, #tpu.memory_space<vmem>>, %arg9: memref<1x1024xf32, #tpu.memory_space<vmem>>, %arg10: memref<1x1024xf32, #tpu.memory_space<vmem>>, %arg11: memref<1x1024xf32, #tpu.memory_space<vmem>>, %arg12: memref<64x1024xf32, #tpu.memory_space<vmem>>, %arg13: memref<1024x1024xbf16, #tpu.memory_space<vmem>>, %arg14: memref<1024x1024xbf16, #tpu.memory_space<vmem>>, %arg15: memref<1024x1024xbf16, #tpu.memory_space<vmem>>) attributes {dimension_semantics = [#tpu.dimension_semantics<arbitrary>], iteration_bounds = array<i64: 4>, scalar_prefetch = 0 : i64, scratch_operands = 3 : i64, tpu.core_type = #tpu.core_type<tc>, window_params = [{transform_indices = @transform_0, window_bounds = array<i64: 8, 64, 1024>}, {transform_indices = @transform_1, window_bounds = array<i64: 2, 64, 1024>}, {transform_indices = @transform_2, window_bounds = array<i64: 64, 2>}, {transform_indices = @transform_3, window_bounds = array<i64: 64, 2>}, {pipeline_mode = #tpu.pipeline_mode<synchronous>, transform_indices = @transform_4, window_bounds = array<i64: 8, 8>}, {pipeline_mode = #tpu.pipeline_mode<synchronous>, transform_indices = @transform_5, window_bounds = array<i64: 1024, 2048>}, {pipeline_mode = #tpu.pipeline_mode<synchronous>, transform_indices = @transform_6, window_bounds = array<i64: 1024, 1024>}, {pipeline_mode = #tpu.pipeline_mode<synchronous>, transform_indices = @transform_7, window_bounds = array<i64: 1, 1024>}, {pipeline_mode = #tpu.pipeline_mode<synchronous>, transform_indices = @transform_8, window_bounds = array<i64: 1, 1024>}, {pipeline_mode = #tpu.pipeline_mode<synchronous>, transform_indices = @transform_9, window_bounds = array<i64: 1, 1024>}, {pipeline_mode = #tpu.pipeline_mode<synchronous>, transform_indices = @transform_10, window_bounds = array<i64: 1, 1024>}, {transform_indices = @transform_11, window_bounds = array<i64: 64, 1024>}]} {
    %eq3A = arith.constant 0 : i32
    %eq3A_0 = arith.cmpi eq, %arg0, %eq3A : i32
    %convert_element_type3A = arith.extui %eq3A_0 : i1 to i32
    %cond3A = arith.constant 0 : i32
    %cond3A_1 = arith.cmpi ne, %convert_element_type3A, %cond3A : i32
    scf.if %cond3A_1 {
      %get3A_399 = arith.constant 0 : index
      %get3A_400 = arith.constant 0 : index
      %get3A_401 = vector.load %arg6[%get3A_399, %get3A_400] : memref<1024x2048xf32, #tpu.memory_space<vmem>>, vector<1024x1024xf32>
      %convert_element_type3A_402 = arith.truncf %get3A_401 : vector<1024x1024xf32> to vector<1024x1024xbf16>
      %swap3A_403 = arith.constant 0 : index
      %swap3A_404 = arith.constant 0 : index
      %swap3A_405 = vector.load %arg13[%swap3A_403, %swap3A_404] : memref<1024x1024xbf16, #tpu.memory_space<vmem>>, vector<1024x1024xbf16>
      tpu.vector_store %arg13[%swap3A_403, %swap3A_404], %convert_element_type3A_402 {strides = array<i32>} : memref<1024x1024xbf16, #tpu.memory_space<vmem>>, vector<1024x1024xbf16>,
      %get3A_406 = arith.constant 0 : index
      %get3A_407 = arith.constant 1024 : index
      %get3A_408 = vector.load %arg6[%get3A_406, %get3A_407] : memref<1024x2048xf32, #tpu.memory_space<vmem>>, vector<1024x1024xf32>
      %convert_element_type3A_409 = arith.truncf %get3A_408 : vector<1024x1024xf32> to vector<1024x1024xbf16>
      %swap3A_410 = arith.constant 0 : index
      %swap3A_411 = arith.constant 0 : index
      %swap3A_412 = vector.load %arg14[%swap3A_410, %swap3A_411] : memref<1024x1024xbf16, #tpu.memory_space<vmem>>, vector<1024x1024xbf16>
      tpu.vector_store %arg14[%swap3A_410, %swap3A_411], %convert_element_type3A_409 {strides = array<i32>} : memref<1024x1024xbf16, #tpu.memory_space<vmem>>, vector<1024x1024xbf16>,
      %get3A_413 = arith.constant 0 : index
      %get3A_414 = arith.constant 0 : index
      %get3A_415 = vector.load %arg7[%get3A_413, %get3A_414] : memref<1024x1024xf32, #tpu.memory_space<vmem>>, vector<1024x1024xf32>
      %convert_element_type3A_416 = arith.truncf %get3A_415 : vector<1024x1024xf32> to vector<1024x1024xbf16>
      %swap3A_417 = arith.constant 0 : index
      %swap3A_418 = arith.constant 0 : index
      %swap3A_419 = vector.load %arg15[%swap3A_417, %swap3A_418] : memref<1024x1024xbf16, #tpu.memory_space<vmem>>, vector<1024x1024xbf16>
      tpu.vector_store %arg15[%swap3A_417, %swap3A_418], %convert_element_type3A_416 {strides = array<i32>} : memref<1024x1024xbf16, #tpu.memory_space<vmem>>, vector<1024x1024xbf16>,
    } else {
    }
    %get3A = arith.constant 0 : index
    %get3A_2 = arith.constant 0 : index
    %get3A_3 = vector.load %arg8[%get3A, %get3A_2] : memref<1x1024xf32, #tpu.memory_space<vmem>>, vector<1x1024xf32>
    %get3A_4 = arith.constant 0 : index
    %get3A_5 = arith.constant 0 : index
    %get3A_6 = vector.load %arg5[%get3A_4, %get3A_5] : memref<8x8xf32, #tpu.memory_space<vmem>>, vector<8x8xf32>
    %get3A_7 = arith.constant 0 : index
    %get3A_8 = arith.constant 0 : index
    %get3A_9 = arith.constant 0 : index
    %get3A_10 = vector.load %arg1[%get3A_7, %get3A_8, %get3A_9] : memref<8x64x1024xbf16, #tpu.memory_space<vmem>>, vector<8x64x1024xbf16>
    %reshape3A = vector.shape_cast %get3A_10 : vector<8x64x1024xbf16> to vector<512x1024xbf16>
    %get3A_11 = arith.constant 0 : index
    %get3A_12 = arith.constant 0 : index
    %get3A_13 = vector.load %arg14[%get3A_11, %get3A_12] : memref<1024x1024xbf16, #tpu.memory_space<vmem>>, vector<1024x1024xbf16>
    %dot_general3A = arith.constant dense<0.000000e+00> : vector<512x1024xf32>
    %dot_general3A_14 = tpu.matmul %reshape3A, %get3A_13, %dot_general3A {dimension_numbers = #tpu.dot_dimension_numbers<[1], [1], [0], [0], [0, 0, 1, 0], [], []>, transpose_lhs_hint = false} : vector<512x1024xbf16>, vector<1024x1024xbf16>, vector<512x1024xf32> -> vector<512x1024xf32>
    %iota3A = tpu.iota {dimensions = array<i32: 1>} : vector<64x8xi32>
    %get3A_15 = arith.constant 0 : index
    %get3A_16 = arith.constant 0 : index
    %get3A_17 = vector.load %arg3[%get3A_15, %get3A_16] : memref<64x2xi32, #tpu.memory_space<vmem>>, vector<64x1xi32>
    %eq3A_18 = vector.broadcast %get3A_17 : vector<64x1xi32> to vector<64x8xi32>
    %eq3A_19 = arith.cmpi eq, %eq3A_18, %iota3A : vector<64x8xi32>
    %convert_element_type3A_20 = arith.extui %eq3A_19 : vector<64x8xi1> to vector<64x8xi32>
    %convert_element_type3A_21 = arith.sitofp %convert_element_type3A_20 : vector<64x8xi32> to vector<64x8xf32>
    %broadcast_in_dim3A = arith.constant 0.000000e+00 : f32
    %broadcast_in_dim3A_22 = vector.broadcast %broadcast_in_dim3A : f32 to vector<64x8xf32>
    %slice3A = vector.extract_strided_slice %convert_element_type3A_21 {offsets = [0, 0], sizes = [64, 1], strides = [1, 1]} : vector<64x8xf32> to vector<64x1xf32>
    %slice3A_23 = vector.extract_strided_slice %get3A_6 {offsets = [0, 0], sizes = [1, 8], strides = [1, 1]} : vector<8x8xf32> to vector<1x8xf32>
    %mul3A = vector.broadcast %slice3A : vector<64x1xf32> to vector<64x8xf32>
    %mul3A_24 = vector.broadcast %slice3A_23 : vector<1x8xf32> to vector<64x8xf32>
    %mul3A_25 = arith.mulf %mul3A, %mul3A_24 : vector<64x8xf32>
    %add3A = arith.addf %broadcast_in_dim3A_22, %mul3A_25 : vector<64x8xf32>
    %slice3A_26 = vector.extract_strided_slice %convert_element_type3A_21 {offsets = [0, 1], sizes = [64, 1], strides = [1, 1]} : vector<64x8xf32> to vector<64x1xf32>
    %slice3A_27 = vector.extract_strided_slice %get3A_6 {offsets = [1, 0], sizes = [1, 8], strides = [1, 1]} : vector<8x8xf32> to vector<1x8xf32>
    %mul3A_28 = vector.broadcast %slice3A_26 : vector<64x1xf32> to vector<64x8xf32>
    %mul3A_29 = vector.broadcast %slice3A_27 : vector<1x8xf32> to vector<64x8xf32>
    %mul3A_30 = arith.mulf %mul3A_28, %mul3A_29 : vector<64x8xf32>
    %add3A_31 = arith.addf %add3A, %mul3A_30 : vector<64x8xf32>
    %slice3A_32 = vector.extract_strided_slice %convert_element_type3A_21 {offsets = [0, 2], sizes = [64, 1], strides = [1, 1]} : vector<64x8xf32> to vector<64x1xf32>
    %slice3A_33 = vector.extract_strided_slice %get3A_6 {offsets = [2, 0], sizes = [1, 8], strides = [1, 1]} : vector<8x8xf32> to vector<1x8xf32>
    %mul3A_34 = vector.broadcast %slice3A_32 : vector<64x1xf32> to vector<64x8xf32>
    %mul3A_35 = vector.broadcast %slice3A_33 : vector<1x8xf32> to vector<64x8xf32>
    %mul3A_36 = arith.mulf %mul3A_34, %mul3A_35 : vector<64x8xf32>
    %add3A_37 = arith.addf %add3A_31, %mul3A_36 : vector<64x8xf32>
    %slice3A_38 = vector.extract_strided_slice %convert_element_type3A_21 {offsets = [0, 3], sizes = [64, 1], strides = [1, 1]} : vector<64x8xf32> to vector<64x1xf32>
    %slice3A_39 = vector.extract_strided_slice %get3A_6 {offsets = [3, 0], sizes = [1, 8], strides = [1, 1]} : vector<8x8xf32> to vector<1x8xf32>
    %mul3A_40 = vector.broadcast %slice3A_38 : vector<64x1xf32> to vector<64x8xf32>
    %mul3A_41 = vector.broadcast %slice3A_39 : vector<1x8xf32> to vector<64x8xf32>
    %mul3A_42 = arith.mulf %mul3A_40, %mul3A_41 : vector<64x8xf32>
    %add3A_43 = arith.addf %add3A_37, %mul3A_42 : vector<64x8xf32>
    %slice3A_44 = vector.extract_strided_slice %convert_element_type3A_21 {offsets = [0, 4], sizes = [64, 1], strides = [1, 1]} : vector<64x8xf32> to vector<64x1xf32>
    %slice3A_45 = vector.extract_strided_slice %get3A_6 {offsets = [4, 0], sizes = [1, 8], strides = [1, 1]} : vector<8x8xf32> to vector<1x8xf32>
    %mul3A_46 = vector.broadcast %slice3A_44 : vector<64x1xf32> to vector<64x8xf32>
    %mul3A_47 = vector.broadcast %slice3A_45 : vector<1x8xf32> to vector<64x8xf32>
    %mul3A_48 = arith.mulf %mul3A_46, %mul3A_47 : vector<64x8xf32>
    %add3A_49 = arith.addf %add3A_43, %mul3A_48 : vector<64x8xf32>
    %slice3A_50 = vector.extract_strided_slice %convert_element_type3A_21 {offsets = [0, 5], sizes = [64, 1], strides = [1, 1]} : vector<64x8xf32> to vector<64x1xf32>
    %slice3A_51 = vector.extract_strided_slice %get3A_6 {offsets = [5, 0], sizes = [1, 8], strides = [1, 1]} : vector<8x8xf32> to vector<1x8xf32>
    %mul3A_52 = vector.broadcast %slice3A_50 : vector<64x1xf32> to vector<64x8xf32>
    %mul3A_53 = vector.broadcast %slice3A_51 : vector<1x8xf32> to vector<64x8xf32>
    %mul3A_54 = arith.mulf %mul3A_52, %mul3A_53 : vector<64x8xf32>
    %add3A_55 = arith.addf %add3A_49, %mul3A_54 : vector<64x8xf32>
    %slice3A_56 = vector.extract_strided_slice %convert_element_type3A_21 {offsets = [0, 6], sizes = [64, 1], strides = [1, 1]} : vector<64x8xf32> to vector<64x1xf32>
    %slice3A_57 = vector.extract_strided_slice %get3A_6 {offsets = [6, 0], sizes = [1, 8], strides = [1, 1]} : vector<8x8xf32> to vector<1x8xf32>
    %mul3A_58 = vector.broadcast %slice3A_56 : vector<64x1xf32> to vector<64x8xf32>
    %mul3A_59 = vector.broadcast %slice3A_57 : vector<1x8xf32> to vector<64x8xf32>
    %mul3A_60 = arith.mulf %mul3A_58, %mul3A_59 : vector<64x8xf32>
    %add3A_61 = arith.addf %add3A_55, %mul3A_60 : vector<64x8xf32>
    %slice3A_62 = vector.extract_strided_slice %convert_element_type3A_21 {offsets = [0, 7], sizes = [64, 1], strides = [1, 1]} : vector<64x8xf32> to vector<64x1xf32>
    %slice3A_63 = vector.extract_strided_slice %get3A_6 {offsets = [7, 0], sizes = [1, 8], strides = [1, 1]} : vector<8x8xf32> to vector<1x8xf32>
    %mul3A_64 = vector.broadcast %slice3A_62 : vector<64x1xf32> to vector<64x8xf32>
    %mul3A_65 = vector.broadcast %slice3A_63 : vector<1x8xf32> to vector<64x8xf32>
    %mul3A_66 = arith.mulf %mul3A_64, %mul3A_65 : vector<64x8xf32>
    %add3A_67 = arith.addf %add3A_61, %mul3A_66 : vector<64x8xf32>
    %get3A_68 = arith.constant 0 : index
    %get3A_69 = arith.constant 1 : index
    %get3A_70 = vector.load %arg3[%get3A_68, %get3A_69] : memref<64x2xi32, #tpu.memory_space<vmem>>, vector<64x1xi32>
    %eq3A_71 = vector.broadcast %get3A_70 : vector<64x1xi32> to vector<64x8xi32>
    %eq3A_72 = arith.cmpi eq, %eq3A_71, %iota3A : vector<64x8xi32>
    %convert_element_type3A_73 = arith.extui %eq3A_72 : vector<64x8xi1> to vector<64x8xi32>
    %convert_element_type3A_74 = arith.sitofp %convert_element_type3A_73 : vector<64x8xi32> to vector<64x8xf32>
    %broadcast_in_dim3A_75 = arith.constant 0.000000e+00 : f32
    %broadcast_in_dim3A_76 = vector.broadcast %broadcast_in_dim3A_75 : f32 to vector<64x8xf32>
    %slice3A_77 = vector.extract_strided_slice %convert_element_type3A_74 {offsets = [0, 0], sizes = [64, 1], strides = [1, 1]} : vector<64x8xf32> to vector<64x1xf32>
    %slice3A_78 = vector.extract_strided_slice %get3A_6 {offsets = [0, 0], sizes = [1, 8], strides = [1, 1]} : vector<8x8xf32> to vector<1x8xf32>
    %mul3A_79 = vector.broadcast %slice3A_77 : vector<64x1xf32> to vector<64x8xf32>
    %mul3A_80 = vector.broadcast %slice3A_78 : vector<1x8xf32> to vector<64x8xf32>
    %mul3A_81 = arith.mulf %mul3A_79, %mul3A_80 : vector<64x8xf32>
    %add3A_82 = arith.addf %broadcast_in_dim3A_76, %mul3A_81 : vector<64x8xf32>
    %slice3A_83 = vector.extract_strided_slice %convert_element_type3A_74 {offsets = [0, 1], sizes = [64, 1], strides = [1, 1]} : vector<64x8xf32> to vector<64x1xf32>
    %slice3A_84 = vector.extract_strided_slice %get3A_6 {offsets = [1, 0], sizes = [1, 8], strides = [1, 1]} : vector<8x8xf32> to vector<1x8xf32>
    %mul3A_85 = vector.broadcast %slice3A_83 : vector<64x1xf32> to vector<64x8xf32>
    %mul3A_86 = vector.broadcast %slice3A_84 : vector<1x8xf32> to vector<64x8xf32>
    %mul3A_87 = arith.mulf %mul3A_85, %mul3A_86 : vector<64x8xf32>
    %add3A_88 = arith.addf %add3A_82, %mul3A_87 : vector<64x8xf32>
    %slice3A_89 = vector.extract_strided_slice %convert_element_type3A_74 {offsets = [0, 2], sizes = [64, 1], strides = [1, 1]} : vector<64x8xf32> to vector<64x1xf32>
    %slice3A_90 = vector.extract_strided_slice %get3A_6 {offsets = [2, 0], sizes = [1, 8], strides = [1, 1]} : vector<8x8xf32> to vector<1x8xf32>
    %mul3A_91 = vector.broadcast %slice3A_89 : vector<64x1xf32> to vector<64x8xf32>
    %mul3A_92 = vector.broadcast %slice3A_90 : vector<1x8xf32> to vector<64x8xf32>
    %mul3A_93 = arith.mulf %mul3A_91, %mul3A_92 : vector<64x8xf32>
    %add3A_94 = arith.addf %add3A_88, %mul3A_93 : vector<64x8xf32>
    %slice3A_95 = vector.extract_strided_slice %convert_element_type3A_74 {offsets = [0, 3], sizes = [64, 1], strides = [1, 1]} : vector<64x8xf32> to vector<64x1xf32>
    %slice3A_96 = vector.extract_strided_slice %get3A_6 {offsets = [3, 0], sizes = [1, 8], strides = [1, 1]} : vector<8x8xf32> to vector<1x8xf32>
    %mul3A_97 = vector.broadcast %slice3A_95 : vector<64x1xf32> to vector<64x8xf32>
    %mul3A_98 = vector.broadcast %slice3A_96 : vector<1x8xf32> to vector<64x8xf32>
    %mul3A_99 = arith.mulf %mul3A_97, %mul3A_98 : vector<64x8xf32>
    %add3A_100 = arith.addf %add3A_94, %mul3A_99 : vector<64x8xf32>
    %slice3A_101 = vector.extract_strided_slice %convert_element_type3A_74 {offsets = [0, 4], sizes = [64, 1], strides = [1, 1]} : vector<64x8xf32> to vector<64x1xf32>
    %slice3A_102 = vector.extract_strided_slice %get3A_6 {offsets = [4, 0], sizes = [1, 8], strides = [1, 1]} : vector<8x8xf32> to vector<1x8xf32>
    %mul3A_103 = vector.broadcast %slice3A_101 : vector<64x1xf32> to vector<64x8xf32>
    %mul3A_104 = vector.broadcast %slice3A_102 : vector<1x8xf32> to vector<64x8xf32>
    %mul3A_105 = arith.mulf %mul3A_103, %mul3A_104 : vector<64x8xf32>
    %add3A_106 = arith.addf %add3A_100, %mul3A_105 : vector<64x8xf32>
    %slice3A_107 = vector.extract_strided_slice %convert_element_type3A_74 {offsets = [0, 5], sizes = [64, 1], strides = [1, 1]} : vector<64x8xf32> to vector<64x1xf32>
    %slice3A_108 = vector.extract_strided_slice %get3A_6 {offsets = [5, 0], sizes = [1, 8], strides = [1, 1]} : vector<8x8xf32> to vector<1x8xf32>
    %mul3A_109 = vector.broadcast %slice3A_107 : vector<64x1xf32> to vector<64x8xf32>
    %mul3A_110 = vector.broadcast %slice3A_108 : vector<1x8xf32> to vector<64x8xf32>
    %mul3A_111 = arith.mulf %mul3A_109, %mul3A_110 : vector<64x8xf32>
    %add3A_112 = arith.addf %add3A_106, %mul3A_111 : vector<64x8xf32>
    %slice3A_113 = vector.extract_strided_slice %convert_element_type3A_74 {offsets = [0, 6], sizes = [64, 1], strides = [1, 1]} : vector<64x8xf32> to vector<64x1xf32>
    %slice3A_114 = vector.extract_strided_slice %get3A_6 {offsets = [6, 0], sizes = [1, 8], strides = [1, 1]} : vector<8x8xf32> to vector<1x8xf32>
    %mul3A_115 = vector.broadcast %slice3A_113 : vector<64x1xf32> to vector<64x8xf32>
    %mul3A_116 = vector.broadcast %slice3A_114 : vector<1x8xf32> to vector<64x8xf32>
    %mul3A_117 = arith.mulf %mul3A_115, %mul3A_116 : vector<64x8xf32>
    %add3A_118 = arith.addf %add3A_112, %mul3A_117 : vector<64x8xf32>
    %slice3A_119 = vector.extract_strided_slice %convert_element_type3A_74 {offsets = [0, 7], sizes = [64, 1], strides = [1, 1]} : vector<64x8xf32> to vector<64x1xf32>
    %slice3A_120 = vector.extract_strided_slice %get3A_6 {offsets = [7, 0], sizes = [1, 8], strides = [1, 1]} : vector<8x8xf32> to vector<1x8xf32>
    %mul3A_121 = vector.broadcast %slice3A_119 : vector<64x1xf32> to vector<64x8xf32>
    %mul3A_122 = vector.broadcast %slice3A_120 : vector<1x8xf32> to vector<64x8xf32>
    %mul3A_123 = arith.mulf %mul3A_121, %mul3A_122 : vector<64x8xf32>
    %add3A_124 = arith.addf %add3A_118, %mul3A_123 : vector<64x8xf32>
    %get3A_125 = arith.constant 0 : index
    %get3A_126 = arith.constant 0 : index
    %get3A_127 = arith.constant 0 : index
    %get3A_128 = vector.load %arg2[%get3A_125, %get3A_126, %get3A_127] : memref<2x64x1024xf32, #tpu.memory_space<vmem>>, vector<2x64x1024xf32>
    %reshape3A_129 = vector.shape_cast %get3A_128 : vector<2x64x1024xf32> to vector<128x1024xf32>
    %convert_element_type3A_130 = arith.truncf %reshape3A_129 : vector<128x1024xf32> to vector<128x1024xbf16>
    %get3A_131 = arith.constant 0 : index
    %get3A_132 = arith.constant 0 : index
    %get3A_133 = vector.load %arg13[%get3A_131, %get3A_132] : memref<1024x1024xbf16, #tpu.memory_space<vmem>>, vector<1024x1024xbf16>
    %dot_general3A_134 = arith.constant dense<0.000000e+00> : vector<128x1024xf32>
    %dot_general3A_135 = tpu.matmul %convert_element_type3A_130, %get3A_133, %dot_general3A_134 {dimension_numbers = #tpu.dot_dimension_numbers<[1], [1], [0], [0], [0, 0, 1, 0], [], []>, transpose_lhs_hint = false} : vector<128x1024xbf16>, vector<1024x1024xbf16>, vector<128x1024xf32> -> vector<128x1024xf32>
    %add3A_136 = vector.broadcast %get3A_3 : vector<1x1024xf32> to vector<128x1024xf32>
    %add3A_137 = arith.addf %dot_general3A_135, %add3A_136 : vector<128x1024xf32>
    %slice3A_138 = vector.extract_strided_slice %add3A_137 {offsets = [0, 0], sizes = [64, 1024], strides = [1, 1]} : vector<128x1024xf32> to vector<64x1024xf32>
    %broadcast_in_dim3A_139 = arith.constant 0.000000e+00 : f32
    %broadcast_in_dim3A_140 = vector.broadcast %broadcast_in_dim3A_139 : f32 to vector<64x1024xf32>
    %slice3A_141 = vector.extract_strided_slice %dot_general3A_14 {offsets = [0, 0], sizes = [64, 1024], strides = [1, 1]} : vector<512x1024xf32> to vector<64x1024xf32>
    %add3A_142 = arith.addf %slice3A_138, %slice3A_141 : vector<64x1024xf32>
    %max3A = arith.constant 0.000000e+00 : f32
    %max3A_143 = vector.broadcast %max3A : f32 to vector<64x1024xf32>
    %max3A_144 = arith.maximumf %add3A_142, %max3A_143 : vector<64x1024xf32>
    %slice3A_145 = vector.extract_strided_slice %add3A_67 {offsets = [0, 0], sizes = [64, 1], strides = [1, 1]} : vector<64x8xf32> to vector<64x1xf32>
    %mul3A_146 = vector.broadcast %slice3A_145 : vector<64x1xf32> to vector<64x1024xf32>
    %mul3A_147 = arith.mulf %mul3A_146, %max3A_144 : vector<64x1024xf32>
    %add3A_148 = arith.addf %broadcast_in_dim3A_140, %mul3A_147 : vector<64x1024xf32>
    %slice3A_149 = vector.extract_strided_slice %dot_general3A_14 {offsets = [64, 0], sizes = [64, 1024], strides = [1, 1]} : vector<512x1024xf32> to vector<64x1024xf32>
    %add3A_150 = arith.addf %slice3A_138, %slice3A_149 : vector<64x1024xf32>
    %max3A_151 = arith.constant 0.000000e+00 : f32
    %max3A_152 = vector.broadcast %max3A_151 : f32 to vector<64x1024xf32>
    %max3A_153 = arith.maximumf %add3A_150, %max3A_152 : vector<64x1024xf32>
    %slice3A_154 = vector.extract_strided_slice %add3A_67 {offsets = [0, 1], sizes = [64, 1], strides = [1, 1]} : vector<64x8xf32> to vector<64x1xf32>
    %mul3A_155 = vector.broadcast %slice3A_154 : vector<64x1xf32> to vector<64x1024xf32>
    %mul3A_156 = arith.mulf %mul3A_155, %max3A_153 : vector<64x1024xf32>
    %add3A_157 = arith.addf %add3A_148, %mul3A_156 : vector<64x1024xf32>
    %slice3A_158 = vector.extract_strided_slice %dot_general3A_14 {offsets = [128, 0], sizes = [64, 1024], strides = [1, 1]} : vector<512x1024xf32> to vector<64x1024xf32>
    %add3A_159 = arith.addf %slice3A_138, %slice3A_158 : vector<64x1024xf32>
    %max3A_160 = arith.constant 0.000000e+00 : f32
    %max3A_161 = vector.broadcast %max3A_160 : f32 to vector<64x1024xf32>
    %max3A_162 = arith.maximumf %add3A_159, %max3A_161 : vector<64x1024xf32>
    %slice3A_163 = vector.extract_strided_slice %add3A_67 {offsets = [0, 2], sizes = [64, 1], strides = [1, 1]} : vector<64x8xf32> to vector<64x1xf32>
    %mul3A_164 = vector.broadcast %slice3A_163 : vector<64x1xf32> to vector<64x1024xf32>
    %mul3A_165 = arith.mulf %mul3A_164, %max3A_162 : vector<64x1024xf32>
    %add3A_166 = arith.addf %add3A_157, %mul3A_165 : vector<64x1024xf32>
    %slice3A_167 = vector.extract_strided_slice %dot_general3A_14 {offsets = [192, 0], sizes = [64, 1024], strides = [1, 1]} : vector<512x1024xf32> to vector<64x1024xf32>
    %add3A_168 = arith.addf %slice3A_138, %slice3A_167 : vector<64x1024xf32>
    %max3A_169 = arith.constant 0.000000e+00 : f32
    %max3A_170 = vector.broadcast %max3A_169 : f32 to vector<64x1024xf32>
    %max3A_171 = arith.maximumf %add3A_168, %max3A_170 : vector<64x1024xf32>
    %slice3A_172 = vector.extract_strided_slice %add3A_67 {offsets = [0, 3], sizes = [64, 1], strides = [1, 1]} : vector<64x8xf32> to vector<64x1xf32>
    %mul3A_173 = vector.broadcast %slice3A_172 : vector<64x1xf32> to vector<64x1024xf32>
    %mul3A_174 = arith.mulf %mul3A_173, %max3A_171 : vector<64x1024xf32>
    %add3A_175 = arith.addf %add3A_166, %mul3A_174 : vector<64x1024xf32>
    %slice3A_176 = vector.extract_strided_slice %dot_general3A_14 {offsets = [256, 0], sizes = [64, 1024], strides = [1, 1]} : vector<512x1024xf32> to vector<64x1024xf32>
    %add3A_177 = arith.addf %slice3A_138, %slice3A_176 : vector<64x1024xf32>
    %max3A_178 = arith.constant 0.000000e+00 : f32
    %max3A_179 = vector.broadcast %max3A_178 : f32 to vector<64x1024xf32>
    %max3A_180 = arith.maximumf %add3A_177, %max3A_179 : vector<64x1024xf32>
    %slice3A_181 = vector.extract_strided_slice %add3A_67 {offsets = [0, 4], sizes = [64, 1], strides = [1, 1]} : vector<64x8xf32> to vector<64x1xf32>
    %mul3A_182 = vector.broadcast %slice3A_181 : vector<64x1xf32> to vector<64x1024xf32>
    %mul3A_183 = arith.mulf %mul3A_182, %max3A_180 : vector<64x1024xf32>
    %add3A_184 = arith.addf %add3A_175, %mul3A_183 : vector<64x1024xf32>
    %slice3A_185 = vector.extract_strided_slice %dot_general3A_14 {offsets = [320, 0], sizes = [64, 1024], strides = [1, 1]} : vector<512x1024xf32> to vector<64x1024xf32>
    %add3A_186 = arith.addf %slice3A_138, %slice3A_185 : vector<64x1024xf32>
    %max3A_187 = arith.constant 0.000000e+00 : f32
    %max3A_188 = vector.broadcast %max3A_187 : f32 to vector<64x1024xf32>
    %max3A_189 = arith.maximumf %add3A_186, %max3A_188 : vector<64x1024xf32>
    %slice3A_190 = vector.extract_strided_slice %add3A_67 {offsets = [0, 5], sizes = [64, 1], strides = [1, 1]} : vector<64x8xf32> to vector<64x1xf32>
    %mul3A_191 = vector.broadcast %slice3A_190 : vector<64x1xf32> to vector<64x1024xf32>
    %mul3A_192 = arith.mulf %mul3A_191, %max3A_189 : vector<64x1024xf32>
    %add3A_193 = arith.addf %add3A_184, %mul3A_192 : vector<64x1024xf32>
    %slice3A_194 = vector.extract_strided_slice %dot_general3A_14 {offsets = [384, 0], sizes = [64, 1024], strides = [1, 1]} : vector<512x1024xf32> to vector<64x1024xf32>
    %add3A_195 = arith.addf %slice3A_138, %slice3A_194 : vector<64x1024xf32>
    %max3A_196 = arith.constant 0.000000e+00 : f32
    %max3A_197 = vector.broadcast %max3A_196 : f32 to vector<64x1024xf32>
    %max3A_198 = arith.maximumf %add3A_195, %max3A_197 : vector<64x1024xf32>
    %slice3A_199 = vector.extract_strided_slice %add3A_67 {offsets = [0, 6], sizes = [64, 1], strides = [1, 1]} : vector<64x8xf32> to vector<64x1xf32>
    %mul3A_200 = vector.broadcast %slice3A_199 : vector<64x1xf32> to vector<64x1024xf32>
    %mul3A_201 = arith.mulf %mul3A_200, %max3A_198 : vector<64x1024xf32>
    %add3A_202 = arith.addf %add3A_193, %mul3A_201 : vector<64x1024xf32>
    %slice3A_203 = vector.extract_strided_slice %dot_general3A_14 {offsets = [448, 0], sizes = [64, 1024], strides = [1, 1]} : vector<512x1024xf32> to vector<64x1024xf32>
    %add3A_204 = arith.addf %slice3A_138, %slice3A_203 : vector<64x1024xf32>
    %max3A_205 = arith.constant 0.000000e+00 : f32
    %max3A_206 = vector.broadcast %max3A_205 : f32 to vector<64x1024xf32>
    %max3A_207 = arith.maximumf %add3A_204, %max3A_206 : vector<64x1024xf32>
    %slice3A_208 = vector.extract_strided_slice %add3A_67 {offsets = [0, 7], sizes = [64, 1], strides = [1, 1]} : vector<64x8xf32> to vector<64x1xf32>
    %mul3A_209 = vector.broadcast %slice3A_208 : vector<64x1xf32> to vector<64x1024xf32>
    %mul3A_210 = arith.mulf %mul3A_209, %max3A_207 : vector<64x1024xf32>
    %add3A_211 = arith.addf %add3A_202, %mul3A_210 : vector<64x1024xf32>
    %slice3A_212 = vector.extract_strided_slice %add3A_137 {offsets = [64, 0], sizes = [64, 1024], strides = [1, 1]} : vector<128x1024xf32> to vector<64x1024xf32>
    %broadcast_in_dim3A_213 = arith.constant 0.000000e+00 : f32
    %broadcast_in_dim3A_214 = vector.broadcast %broadcast_in_dim3A_213 : f32 to vector<64x1024xf32>
    %slice3A_215 = vector.extract_strided_slice %dot_general3A_14 {offsets = [0, 0], sizes = [64, 1024], strides = [1, 1]} : vector<512x1024xf32> to vector<64x1024xf32>
    %add3A_216 = arith.addf %slice3A_212, %slice3A_215 : vector<64x1024xf32>
    %max3A_217 = arith.constant 0.000000e+00 : f32
    %max3A_218 = vector.broadcast %max3A_217 : f32 to vector<64x1024xf32>
    %max3A_219 = arith.maximumf %add3A_216, %max3A_218 : vector<64x1024xf32>
    %slice3A_220 = vector.extract_strided_slice %add3A_124 {offsets = [0, 0], sizes = [64, 1], strides = [1, 1]} : vector<64x8xf32> to vector<64x1xf32>
    %mul3A_221 = vector.broadcast %slice3A_220 : vector<64x1xf32> to vector<64x1024xf32>
    %mul3A_222 = arith.mulf %mul3A_221, %max3A_219 : vector<64x1024xf32>
    %add3A_223 = arith.addf %broadcast_in_dim3A_214, %mul3A_222 : vector<64x1024xf32>
    %slice3A_224 = vector.extract_strided_slice %dot_general3A_14 {offsets = [64, 0], sizes = [64, 1024], strides = [1, 1]} : vector<512x1024xf32> to vector<64x1024xf32>
    %add3A_225 = arith.addf %slice3A_212, %slice3A_224 : vector<64x1024xf32>
    %max3A_226 = arith.constant 0.000000e+00 : f32
    %max3A_227 = vector.broadcast %max3A_226 : f32 to vector<64x1024xf32>
    %max3A_228 = arith.maximumf %add3A_225, %max3A_227 : vector<64x1024xf32>
    %slice3A_229 = vector.extract_strided_slice %add3A_124 {offsets = [0, 1], sizes = [64, 1], strides = [1, 1]} : vector<64x8xf32> to vector<64x1xf32>
    %mul3A_230 = vector.broadcast %slice3A_229 : vector<64x1xf32> to vector<64x1024xf32>
    %mul3A_231 = arith.mulf %mul3A_230, %max3A_228 : vector<64x1024xf32>
    %add3A_232 = arith.addf %add3A_223, %mul3A_231 : vector<64x1024xf32>
    %slice3A_233 = vector.extract_strided_slice %dot_general3A_14 {offsets = [128, 0], sizes = [64, 1024], strides = [1, 1]} : vector<512x1024xf32> to vector<64x1024xf32>
    %add3A_234 = arith.addf %slice3A_212, %slice3A_233 : vector<64x1024xf32>
    %max3A_235 = arith.constant 0.000000e+00 : f32
    %max3A_236 = vector.broadcast %max3A_235 : f32 to vector<64x1024xf32>
    %max3A_237 = arith.maximumf %add3A_234, %max3A_236 : vector<64x1024xf32>
    %slice3A_238 = vector.extract_strided_slice %add3A_124 {offsets = [0, 2], sizes = [64, 1], strides = [1, 1]} : vector<64x8xf32> to vector<64x1xf32>
    %mul3A_239 = vector.broadcast %slice3A_238 : vector<64x1xf32> to vector<64x1024xf32>
    %mul3A_240 = arith.mulf %mul3A_239, %max3A_237 : vector<64x1024xf32>
    %add3A_241 = arith.addf %add3A_232, %mul3A_240 : vector<64x1024xf32>
    %slice3A_242 = vector.extract_strided_slice %dot_general3A_14 {offsets = [192, 0], sizes = [64, 1024], strides = [1, 1]} : vector<512x1024xf32> to vector<64x1024xf32>
    %add3A_243 = arith.addf %slice3A_212, %slice3A_242 : vector<64x1024xf32>
    %max3A_244 = arith.constant 0.000000e+00 : f32
    %max3A_245 = vector.broadcast %max3A_244 : f32 to vector<64x1024xf32>
    %max3A_246 = arith.maximumf %add3A_243, %max3A_245 : vector<64x1024xf32>
    %slice3A_247 = vector.extract_strided_slice %add3A_124 {offsets = [0, 3], sizes = [64, 1], strides = [1, 1]} : vector<64x8xf32> to vector<64x1xf32>
    %mul3A_248 = vector.broadcast %slice3A_247 : vector<64x1xf32> to vector<64x1024xf32>
    %mul3A_249 = arith.mulf %mul3A_248, %max3A_246 : vector<64x1024xf32>
    %add3A_250 = arith.addf %add3A_241, %mul3A_249 : vector<64x1024xf32>
    %slice3A_251 = vector.extract_strided_slice %dot_general3A_14 {offsets = [256, 0], sizes = [64, 1024], strides = [1, 1]} : vector<512x1024xf32> to vector<64x1024xf32>
    %add3A_252 = arith.addf %slice3A_212, %slice3A_251 : vector<64x1024xf32>
    %max3A_253 = arith.constant 0.000000e+00 : f32
    %max3A_254 = vector.broadcast %max3A_253 : f32 to vector<64x1024xf32>
    %max3A_255 = arith.maximumf %add3A_252, %max3A_254 : vector<64x1024xf32>
    %slice3A_256 = vector.extract_strided_slice %add3A_124 {offsets = [0, 4], sizes = [64, 1], strides = [1, 1]} : vector<64x8xf32> to vector<64x1xf32>
    %mul3A_257 = vector.broadcast %slice3A_256 : vector<64x1xf32> to vector<64x1024xf32>
    %mul3A_258 = arith.mulf %mul3A_257, %max3A_255 : vector<64x1024xf32>
    %add3A_259 = arith.addf %add3A_250, %mul3A_258 : vector<64x1024xf32>
    %slice3A_260 = vector.extract_strided_slice %dot_general3A_14 {offsets = [320, 0], sizes = [64, 1024], strides = [1, 1]} : vector<512x1024xf32> to vector<64x1024xf32>
    %add3A_261 = arith.addf %slice3A_212, %slice3A_260 : vector<64x1024xf32>
    %max3A_262 = arith.constant 0.000000e+00 : f32
    %max3A_263 = vector.broadcast %max3A_262 : f32 to vector<64x1024xf32>
    %max3A_264 = arith.maximumf %add3A_261, %max3A_263 : vector<64x1024xf32>
    %slice3A_265 = vector.extract_strided_slice %add3A_124 {offsets = [0, 5], sizes = [64, 1], strides = [1, 1]} : vector<64x8xf32> to vector<64x1xf32>
    %mul3A_266 = vector.broadcast %slice3A_265 : vector<64x1xf32> to vector<64x1024xf32>
    %mul3A_267 = arith.mulf %mul3A_266, %max3A_264 : vector<64x1024xf32>
    %add3A_268 = arith.addf %add3A_259, %mul3A_267 : vector<64x1024xf32>
    %slice3A_269 = vector.extract_strided_slice %dot_general3A_14 {offsets = [384, 0], sizes = [64, 1024], strides = [1, 1]} : vector<512x1024xf32> to vector<64x1024xf32>
    %add3A_270 = arith.addf %slice3A_212, %slice3A_269 : vector<64x1024xf32>
    %max3A_271 = arith.constant 0.000000e+00 : f32
    %max3A_272 = vector.broadcast %max3A_271 : f32 to vector<64x1024xf32>
    %max3A_273 = arith.maximumf %add3A_270, %max3A_272 : vector<64x1024xf32>
    %slice3A_274 = vector.extract_strided_slice %add3A_124 {offsets = [0, 6], sizes = [64, 1], strides = [1, 1]} : vector<64x8xf32> to vector<64x1xf32>
    %mul3A_275 = vector.broadcast %slice3A_274 : vector<64x1xf32> to vector<64x1024xf32>
    %mul3A_276 = arith.mulf %mul3A_275, %max3A_273 : vector<64x1024xf32>
    %add3A_277 = arith.addf %add3A_268, %mul3A_276 : vector<64x1024xf32>
    %slice3A_278 = vector.extract_strided_slice %dot_general3A_14 {offsets = [448, 0], sizes = [64, 1024], strides = [1, 1]} : vector<512x1024xf32> to vector<64x1024xf32>
    %add3A_279 = arith.addf %slice3A_212, %slice3A_278 : vector<64x1024xf32>
    %max3A_280 = arith.constant 0.000000e+00 : f32
    %max3A_281 = vector.broadcast %max3A_280 : f32 to vector<64x1024xf32>
    %max3A_282 = arith.maximumf %add3A_279, %max3A_281 : vector<64x1024xf32>
    %slice3A_283 = vector.extract_strided_slice %add3A_124 {offsets = [0, 7], sizes = [64, 1], strides = [1, 1]} : vector<64x8xf32> to vector<64x1xf32>
    %mul3A_284 = vector.broadcast %slice3A_283 : vector<64x1xf32> to vector<64x1024xf32>
    %mul3A_285 = arith.mulf %mul3A_284, %max3A_282 : vector<64x1024xf32>
    %add3A_286 = arith.addf %add3A_277, %mul3A_285 : vector<64x1024xf32>
    %concatenate3A = tpu.concatenate %add3A_211, %add3A_286 in 0 : vector<64x1024xf32>, vector<64x1024xf32> -> vector<128x1024xf32>
    %reduce_sum3A = arith.constant dense<0.000000e+00> : vector<64xf32>
    %reduce_sum3A_287 = vector.multi_reduction <add>, %add3A_67, %reduce_sum3A [1] : vector<64x8xf32> to vector<64xf32>
    %broadcast_in_dim3A_288 = vector.shape_cast %reduce_sum3A_287 : vector<64xf32> to vector<64x1xf32>
    %reduce_sum3A_289 = arith.constant dense<0.000000e+00> : vector<64xf32>
    %reduce_sum3A_290 = vector.multi_reduction <add>, %add3A_124, %reduce_sum3A_289 [1] : vector<64x8xf32> to vector<64xf32>
    %broadcast_in_dim3A_291 = vector.shape_cast %reduce_sum3A_290 : vector<64xf32> to vector<64x1xf32>
    %concatenate3A_292 = tpu.concatenate %broadcast_in_dim3A_288, %broadcast_in_dim3A_291 in 0 : vector<64x1xf32>, vector<64x1xf32> -> vector<128x1xf32>
    %convert_element_type3A_293 = arith.truncf %concatenate3A : vector<128x1024xf32> to vector<128x1024xbf16>
    %get3A_294 = arith.constant 0 : index
    %get3A_295 = arith.constant 0 : index
    %get3A_296 = vector.load %arg15[%get3A_294, %get3A_295] : memref<1024x1024xbf16, #tpu.memory_space<vmem>>, vector<1024x1024xbf16>
    %dot_general3A_297 = arith.constant dense<0.000000e+00> : vector<128x1024xf32>
    %dot_general3A_298 = tpu.matmul %convert_element_type3A_293, %get3A_296, %dot_general3A_297 {dimension_numbers = #tpu.dot_dimension_numbers<[1], [1], [0], [0], [0, 0, 1, 0], [], []>, transpose_lhs_hint = false} : vector<128x1024xbf16>, vector<1024x1024xbf16>, vector<128x1024xf32> -> vector<128x1024xf32>
    %get3A_299 = arith.constant 0 : index
    %get3A_300 = arith.constant 0 : index
    %get3A_301 = vector.load %arg9[%get3A_299, %get3A_300] : memref<1x1024xf32, #tpu.memory_space<vmem>>, vector<1x1024xf32>
    %mul3A_302 = vector.broadcast %concatenate3A_292 : vector<128x1xf32> to vector<128x1024xf32>
    %mul3A_303 = vector.broadcast %get3A_301 : vector<1x1024xf32> to vector<128x1024xf32>
    %mul3A_304 = arith.mulf %mul3A_302, %mul3A_303 : vector<128x1024xf32>
    %add3A_305 = arith.addf %dot_general3A_298, %mul3A_304 : vector<128x1024xf32>
    %add3A_306 = arith.addf %reshape3A_129, %add3A_305 : vector<128x1024xf32>
    %reduce_sum3A_307 = arith.constant dense<0.000000e+00> : vector<128xf32>
    %reduce_sum3A_308 = vector.multi_reduction <add>, %add3A_306, %reduce_sum3A_307 [1] : vector<128x1024xf32> to vector<128xf32>
    %broadcast_in_dim3A_309 = vector.shape_cast %reduce_sum3A_308 : vector<128xf32> to vector<128x1xf32>
    %div3A = arith.constant 1.024000e+03 : f32
    %div3A_310 = vector.broadcast %div3A : f32 to vector<128x1xf32>
    %div3A_311 = arith.divf %broadcast_in_dim3A_309, %div3A_310 : vector<128x1xf32>
    %sub3A = vector.broadcast %div3A_311 : vector<128x1xf32> to vector<128x1024xf32>
    %sub3A_312 = arith.subf %add3A_306, %sub3A : vector<128x1024xf32>
    %mul3A_313 = arith.mulf %sub3A_312, %sub3A_312 : vector<128x1024xf32>
    %reduce_sum3A_314 = arith.constant dense<0.000000e+00> : vector<128xf32>
    %reduce_sum3A_315 = vector.multi_reduction <add>, %mul3A_313, %reduce_sum3A_314 [1] : vector<128x1024xf32> to vector<128xf32>
    %broadcast_in_dim3A_316 = vector.shape_cast %reduce_sum3A_315 : vector<128xf32> to vector<128x1xf32>
    %div3A_317 = arith.constant 1.024000e+03 : f32
    %div3A_318 = vector.broadcast %div3A_317 : f32 to vector<128x1xf32>
    %div3A_319 = arith.divf %broadcast_in_dim3A_316, %div3A_318 : vector<128x1xf32>
    %add3A_320 = arith.constant 9.99999974E-6 : f32
    %add3A_321 = vector.broadcast %add3A_320 : f32 to vector<128x1xf32>
    %add3A_322 = arith.addf %div3A_319, %add3A_321 : vector<128x1xf32>
    %rsqrt3A = math.rsqrt %add3A_322 : vector<128x1xf32>
    %mul3A_323 = vector.broadcast %rsqrt3A : vector<128x1xf32> to vector<128x1024xf32>
    %mul3A_324 = arith.mulf %sub3A_312, %mul3A_323 : vector<128x1024xf32>
    %get3A_325 = arith.constant 0 : index
    %get3A_326 = arith.constant 0 : index
    %get3A_327 = vector.load %arg10[%get3A_325, %get3A_326] : memref<1x1024xf32, #tpu.memory_space<vmem>>, vector<1x1024xf32>
    %mul3A_328 = vector.broadcast %get3A_327 : vector<1x1024xf32> to vector<128x1024xf32>
    %mul3A_329 = arith.mulf %mul3A_324, %mul3A_328 : vector<128x1024xf32>
    %get3A_330 = arith.constant 0 : index
    %get3A_331 = arith.constant 0 : index
    %get3A_332 = vector.load %arg11[%get3A_330, %get3A_331] : memref<1x1024xf32, #tpu.memory_space<vmem>>, vector<1x1024xf32>
    %add3A_333 = vector.broadcast %get3A_332 : vector<1x1024xf32> to vector<128x1024xf32>
    %add3A_334 = arith.addf %mul3A_329, %add3A_333 : vector<128x1024xf32>
    %slice3A_335 = vector.extract_strided_slice %add3A_334 {offsets = [0, 0], sizes = [64, 1024], strides = [1, 1]} : vector<128x1024xf32> to vector<64x1024xf32>
    %slice3A_336 = vector.extract_strided_slice %add3A_334 {offsets = [64, 0], sizes = [64, 1024], strides = [1, 1]} : vector<128x1024xf32> to vector<64x1024xf32>
    %add3A_337 = arith.addf %add3A_67, %add3A_124 : vector<64x8xf32>
    %mul3A_338 = arith.mulf %add3A_337, %convert_element_type3A_21 : vector<64x8xf32>
    %reduce_sum3A_339 = arith.constant dense<0.000000e+00> : vector<64xf32>
    %reduce_sum3A_340 = vector.multi_reduction <add>, %mul3A_338, %reduce_sum3A_339 [1] : vector<64x8xf32> to vector<64xf32>
    %broadcast_in_dim3A_341 = vector.shape_cast %reduce_sum3A_340 : vector<64xf32> to vector<64x1xf32>
    %div3A_342 = arith.constant 2.000000e+00 : f32
    %div3A_343 = vector.broadcast %div3A_342 : f32 to vector<64x1xf32>
    %div3A_344 = arith.divf %broadcast_in_dim3A_341, %div3A_343 : vector<64x1xf32>
    %neg3A = arith.constant 0.000000e+00 : f32
    %neg3A_345 = vector.broadcast %neg3A : f32 to vector<64x1xf32>
    %neg3A_346 = arith.subf %neg3A_345, %div3A_344 : vector<64x1xf32>
    %exp3A = math.exp %neg3A_346 : vector<64x1xf32>
    %add3A_347 = arith.constant 1.000000e+00 : f32
    %add3A_348 = vector.broadcast %add3A_347 : f32 to vector<64x1xf32>
    %add3A_349 = arith.addf %add3A_348, %exp3A : vector<64x1xf32>
    %div3A_350 = arith.constant 1.000000e+00 : f32
    %div3A_351 = vector.broadcast %div3A_350 : f32 to vector<64x1xf32>
    %div3A_352 = arith.divf %div3A_351, %add3A_349 : vector<64x1xf32>
    %mul3A_353 = arith.mulf %add3A_337, %convert_element_type3A_74 : vector<64x8xf32>
    %reduce_sum3A_354 = arith.constant dense<0.000000e+00> : vector<64xf32>
    %reduce_sum3A_355 = vector.multi_reduction <add>, %mul3A_353, %reduce_sum3A_354 [1] : vector<64x8xf32> to vector<64xf32>
    %broadcast_in_dim3A_356 = vector.shape_cast %reduce_sum3A_355 : vector<64xf32> to vector<64x1xf32>
    %div3A_357 = arith.constant 2.000000e+00 : f32
    %div3A_358 = vector.broadcast %div3A_357 : f32 to vector<64x1xf32>
    %div3A_359 = arith.divf %broadcast_in_dim3A_356, %div3A_358 : vector<64x1xf32>
    %neg3A_360 = arith.constant 0.000000e+00 : f32
    %neg3A_361 = vector.broadcast %neg3A_360 : f32 to vector<64x1xf32>
    %neg3A_362 = arith.subf %neg3A_361, %div3A_359 : vector<64x1xf32>
    %exp3A_363 = math.exp %neg3A_362 : vector<64x1xf32>
    %add3A_364 = arith.constant 1.000000e+00 : f32
    %add3A_365 = vector.broadcast %add3A_364 : f32 to vector<64x1xf32>
    %add3A_366 = arith.addf %add3A_365, %exp3A_363 : vector<64x1xf32>
    %div3A_367 = arith.constant 1.000000e+00 : f32
    %div3A_368 = vector.broadcast %div3A_367 : f32 to vector<64x1xf32>
    %div3A_369 = arith.divf %div3A_368, %add3A_366 : vector<64x1xf32>
    %get3A_370 = arith.constant 0 : index
    %get3A_371 = arith.constant 0 : index
    %get3A_372 = vector.load %arg4[%get3A_370, %get3A_371] : memref<64x2xf32, #tpu.memory_space<vmem>>, vector<64x1xf32>
    %get3A_373 = arith.constant 0 : index
    %get3A_374 = arith.constant 1 : index
    %get3A_375 = vector.load %arg4[%get3A_373, %get3A_374] : memref<64x2xf32, #tpu.memory_space<vmem>>, vector<64x1xf32>
    %max3A_376 = arith.maximumf %get3A_372, %get3A_375 : vector<64x1xf32>
    %sub3A_377 = arith.subf %get3A_372, %max3A_376 : vector<64x1xf32>
    %exp3A_378 = math.exp %sub3A_377 : vector<64x1xf32>
    %sub3A_379 = arith.subf %get3A_375, %max3A_376 : vector<64x1xf32>
    %exp3A_380 = math.exp %sub3A_379 : vector<64x1xf32>
    %add3A_381 = arith.addf %exp3A_378, %exp3A_380 : vector<64x1xf32>
    %div3A_382 = arith.divf %exp3A_378, %add3A_381 : vector<64x1xf32>
    %mul3A_383 = arith.mulf %div3A_382, %div3A_352 : vector<64x1xf32>
    %div3A_384 = arith.divf %exp3A_380, %add3A_381 : vector<64x1xf32>
    %mul3A_385 = arith.mulf %div3A_384, %div3A_369 : vector<64x1xf32>
    %add3A_386 = arith.addf %mul3A_383, %mul3A_385 : vector<64x1xf32>
    %add3A_387 = arith.constant 9.99999996E-13 : f32
    %add3A_388 = vector.broadcast %add3A_387 : f32 to vector<64x1xf32>
    %add3A_389 = arith.addf %add3A_386, %add3A_388 : vector<64x1xf32>
    %div3A_390 = arith.divf %mul3A_383, %add3A_389 : vector<64x1xf32>
    %mul3A_391 = vector.broadcast %div3A_390 : vector<64x1xf32> to vector<64x1024xf32>
    %mul3A_392 = arith.mulf %mul3A_391, %slice3A_335 : vector<64x1024xf32>
    %div3A_393 = arith.divf %mul3A_385, %add3A_389 : vector<64x1xf32>
    %mul3A_394 = vector.broadcast %div3A_393 : vector<64x1xf32> to vector<64x1024xf32>
    %mul3A_395 = arith.mulf %mul3A_394, %slice3A_336 : vector<64x1024xf32>
    %add3A_396 = arith.addf %mul3A_392, %mul3A_395 : vector<64x1024xf32>
    %swap3A = arith.constant 0 : index
    %swap3A_397 = arith.constant 0 : index
    %swap3A_398 = vector.load %arg12[%swap3A, %swap3A_397] : memref<64x1024xf32, #tpu.memory_space<vmem>>, vector<64x1024xf32>
    tpu.vector_store %arg12[%swap3A, %swap3A_397], %add3A_396 {strides = array<i32>} : memref<64x1024xf32, #tpu.memory_space<vmem>>, vector<64x1024xf32>,
    return
  }
  func.func @transform_0(%arg0: i32) -> (i32, i32, i32) {
    %c0_i32 = arith.constant 0 : i32
    %c0_i32_0 = arith.constant 0 : i32
    %c0_i32_1 = arith.constant 0 : i32
    return %c0_i32, %arg0, %c0_i32_0 : i32, i32, i32
  }
  func.func @transform_1(%arg0: i32) -> (i32, i32, i32) {
    %c0_i32 = arith.constant 0 : i32
    %c0_i32_0 = arith.constant 0 : i32
    %c0_i32_1 = arith.constant 0 : i32
    return %c0_i32, %arg0, %c0_i32_0 : i32, i32, i32
  }
  func.func @transform_2(%arg0: i32) -> (i32, i32) {
    %c0_i32 = arith.constant 0 : i32
    %c0_i32_0 = arith.constant 0 : i32
    return %arg0, %c0_i32 : i32, i32
  }
  func.func @transform_3(%arg0: i32) -> (i32, i32) {
    %c0_i32 = arith.constant 0 : i32
    %c0_i32_0 = arith.constant 0 : i32
    return %arg0, %c0_i32 : i32, i32
  }
  func.func @transform_4(%arg0: i32) -> (i32, i32) {
    %c0_i32 = arith.constant 0 : i32
    %c0_i32_0 = arith.constant 0 : i32
    %c0_i32_1 = arith.constant 0 : i32
    return %c0_i32, %c0_i32_0 : i32, i32
  }
  func.func @transform_5(%arg0: i32) -> (i32, i32) {
    %c0_i32 = arith.constant 0 : i32
    %c0_i32_0 = arith.constant 0 : i32
    %c0_i32_1 = arith.constant 0 : i32
    return %c0_i32, %c0_i32_0 : i32, i32
  }
  func.func @transform_6(%arg0: i32) -> (i32, i32) {
    %c0_i32 = arith.constant 0 : i32
    %c0_i32_0 = arith.constant 0 : i32
    %c0_i32_1 = arith.constant 0 : i32
    return %c0_i32, %c0_i32_0 : i32, i32
  }
  func.func @transform_7(%arg0: i32) -> (i32, i32) {
    %c0_i32 = arith.constant 0 : i32
    %c0_i32_0 = arith.constant 0 : i32
    %c0_i32_1 = arith.constant 0 : i32
    return %c0_i32, %c0_i32_0 : i32, i32
  }
  func.func @transform_8(%arg0: i32) -> (i32, i32) {
    %c0_i32 = arith.constant 0 : i32
    %c0_i32_0 = arith.constant 0 : i32
    %c0_i32_1 = arith.constant 0 : i32
    return %c0_i32, %c0_i32_0 : i32, i32
  }
  func.func @transform_9(%arg0: i32) -> (i32, i32) {
    %c0_i32 = arith.constant 0 : i32
    %c0_i32_0 = arith.constant 0 : i32
    %c0_i32_1 = arith.constant 0 : i32
    return %c0_i32, %c0_i32_0 : i32, i32
  }
  func.func @transform_10(%arg0: i32) -> (i32, i32) {
    %c0_i32 = arith.constant 0 : i32
    %c0_i32_0 = arith.constant 0 : i32
    %c0_i32_1 = arith.constant 0 : i32
    return %c0_i32, %c0_i32_0 : i32, i32
  }
  func.func @transform_11(%arg0: i32) -> (i32, i32) {
    %c0_i32 = arith.constant 0 : i32
    %c0_i32_0 = arith.constant 0 : i32
    return %arg0, %c0_i32 : i32, i32
  }
}

</mosaic_0001>

<sc_bundles>
// kernel: kernel.4.cloned.1.call-start
scs
__scs_entry_jumppad:
0x0: {  	(pc) =	sbr.rel $0x88, $3  }
0x1: {  	(tag) =	ssettag $0x0;
	lr =	simm.s32 $0x1  }
0x2: {  	[smem:$0x3F97] =	sst lr;
	_ =	strace $0xD0000000  }
0x3: {  	_ = 	snop  }
0x4: {  	_ = 	snop  }
0x5: {  	_ = 	snop  }
0x6: {  	_ = 	snop  }
0x7: {  	_ = 	snop  }
__scs_overlays_trampoline_lowered:
0x8: {  	[smem:$0x3FA6] =	sst s0  }
0x9: {  	[smem:$0x3FA7] =	sst s1  }
0xa: {  	[smem:$0x3FA8] =	sst s2  }
0xb: {  	[smem:$0x3FA9] =	sst s3  }
0xc: {  	[smem:$0x3FAA] =	sst s4  }
0xd: {  	[smem:$0x3FAB] =	sst s5  }
0xe: {  	[smem:$0x3FAC] =	sst s6  }
0xf: {  	[smem:$0x3FAD] =	sst s7  }
0x10: {  	[smem:$0x3FAE] =	sst s8  }
0x11: {  	[smem:$0x3FAF] =	sst s9;
	s0 =	simm.s32 @!p0 $0x0  }
0x12: {  	s1 =	sld [smem:$0x3F95];
	s0 =	simm.s32 @p0 $0x1  }
0x13: {  	[smem:$0x3FB0] =	sst s0;
	s0 =	simm.s32 @!p1 $0x0  }
0x14: {  	s2 =	sld [smem:$0x3F94];
	s0 =	simm.s32 @p1 $0x1  }
0x15: {  	[smem:$0x3FB1] =	sst s0;
	s0 =	simm.s32 @!p2 $0x0  }
0x16: {  	s3 =	sld [smem:$0x3FDB];
	s0 =	simm.s32 @p2 $0x1  }
0x17: {  	s4 =	simm.s32 $0x1BF5;
	[smem:$0x3FB3] =	sst s0  }
0x18: {  	s0 =	sld [smem:$0x3F96];
	_ =	swait.ge [sflag:s4], $0x0  }
0x19: {  	s7 =	sld [smem:$0x3F97]  }
0x1a: {  	s8 =	sadd.s32 $0xFFFFE003, lr  }
0x1b: {  	s9 =	sadd.s32 $0xFFFFFEF7, lr;
	s5 =	simm.s32 $0xFFFFFFFF;
	p2 =	slt.u32 s8, $0xFFFFF086  }
0x1c: {  	p1 =	slt.u32 s9, $0xF7A;
	s5 =	simm.s32 @!p2 $0x0  }
0x1d: {  	s5 =	simm.s32 @p1 $0x1;
	p0 =	seq.s32 s7, s2  }
0x1e: {  	s7 =	smul.u32 @!p0 $0xF7A, s2;
	p2 =	seq.s32 @!p0 s5, $0x0  }
0x1f: {  	s9 =	smul.u32 $0xF7A, s1;
	s8 =	simm.s32 @!p0 $0x1BF5;
	p2 =	por !p2, p0  }
0x20: {  	[sflag:s8] =	ssyncset.s32 @!p0 $0xFFFFF086;
	s6 =	sadd.s32 @!p0 s3, s7;
	s7 =	simm.s32 @!p0 $0x108  }
0x21: {  	s3 =	sadd.s32 s3, s9;
	s6 =	sadd.s32 @!p0 $0x88, s6;
	s7 =	simm.s32 @p2 $0x1082  }
0x22: {  	[simem:s7], [sflag:s8] =	dma.local @!p0 [hbm:s6], $0xF7A  }
0x23: {  	s9 =	sor.u32 $0xD0000000, s2;
	s6 =	simm.s32 $0x108;
	_ =	swait.ge @!p0 [sflag:s8], $0x0  }
0x24: {  	s3 =	sadd.s32 $0x88, s3;
	s6 =	simm.s32 @!p1 $0x1082;
	[sflag:s4] =	ssyncset.s32 $0xFFFFF086  }
0x25: {  	[simem:s6], [sflag:s4] =	dma.local [hbm:s3], $0xF7A  }
0x26: {  	[smem:$0x3F97] =	sst s1;
	(tag) =	ssettag s2;
	_ =	strace s9  }
0x27: {  	s1 =	sld [smem:$0x3FA7]  }
0x28: {  	s2 =	sld [smem:$0x3FA8]  }
0x29: {  	s4 =	sld [smem:$0x3FAA]  }
0x2a: {  	p0 =	seq.s32 s5, $0x0;
	s5 =	sld [smem:$0x3FAB]  }
0x2b: {  	s6 =	sld [smem:$0x3FAC]  }
0x2c: {  	s7 =	sld [smem:$0x3FAD]  }
0x2d: {  	s3 =	simm.s32 $0x108;
	s8 =	sld [smem:$0x3FAE]  }
0x2e: {  	s3 =	simm.s32 @!p0 $0x1082;
	s9 =	sld [smem:$0x3FAF]  }
0x2f: {  	lr =	sadd.s32 s0, s3;
	s0 =	sld [smem:$0x3FA6]  }
0x30: {  	s3 =	sld [smem:$0x3FA9]  }
0x31: {  	[smem:$0x3FB2] =	sst s10  }
0x32: {  	s10 =	sld [smem:$0x3FB0];
	_ =	sdelay $0x3  }
0x33: {  	p0 =	seq.s32 s10, $0x1;
	s10 =	sld [smem:$0x3FB2];
	_ =	sdelay $0x3  }
0x34: {  	[smem:$0x3FB2] =	sst s10  }
0x35: {  	s10 =	sld [smem:$0x3FB1];
	_ =	sdelay $0x3  }
0x36: {  	p1 =	seq.s32 s10, $0x1;
	s10 =	sld [smem:$0x3FB2];
	_ =	sdelay $0x3  }
0x37: {  	[smem:$0x3FB2] =	sst s10  }
0x38: {  	s10 =	sld [smem:$0x3FB3]  }
0x39: {  	_ = 	snop;
	(pc) =	sbr.ind lr, $3  }
0x3a: {  	_ = 	snop  }
0x3b: {  	_ = 	snop  }
0x3c: {  	p2 =	seq.s32 s10, $0x1;
	s10 =	sld [smem:$0x3FB2]  }
0x3d: {  	_ =	shalt  }
0x3e: {  	_ =	shalt  }
0x3f: {  	_ =	shalt  }
0x40: {  	_ =	shalt  }
0x41: {  	_ =	shalt  }
0x42: {  	_ =	shalt  }
0x43: {  	_ =	shalt  }
0x44: {  	_ =	shalt  }
0x45: {  	_ =	shalt  }
0x46: {  	_ =	shalt  }
0x47: {  	_ =	shalt  }
0x48: {  	_ =	shalt  }
0x49: {  	_ =	shalt  }
0x4a: {  	_ =	shalt  }
0x4b: {  	_ =	shalt  }
0x4c: {  	_ =	shalt  }
0x4d: {  	_ =	shalt  }
0x4e: {  	_ =	shalt  }
0x4f: {  	_ =	shalt  }
0x50: {  	_ =	shalt  }
0x51: {  	_ =	shalt  }
0x52: {  	_ =	shalt  }
0x53: {  	_ =	shalt  }
0x54: {  	_ =	shalt  }
0x55: {  	_ =	shalt  }
0x56: {  	_ =	shalt  }
0x57: {  	_ =	shalt  }
0x58: {  	_ =	shalt  }
0x59: {  	_ =	shalt  }
0x5a: {  	_ =	shalt  }
0x5b: {  	_ =	shalt  }
0x5c: {  	_ =	shalt  }
0x5d: {  	_ =	shalt  }
0x5e: {  	_ =	shalt  }
0x5f: {  	_ =	shalt  }
0x60: {  	_ =	shalt  }
0x61: {  	_ =	shalt  }
0x62: {  	_ =	shalt  }
0x63: {  	_ =	shalt  }
0x64: {  	_ =	shalt  }
0x65: {  	_ =	shalt  }
0x66: {  	_ =	shalt  }
0x67: {  	_ =	shalt  }
0x68: {  	_ =	shalt  }
0x69: {  	_ =	shalt  }
0x6a: {  	_ =	shalt  }
0x6b: {  	_ =	shalt  }
0x6c: {  	_ =	shalt  }
0x6d: {  	_ =	shalt  }
0x6e: {  	_ =	shalt  }
0x6f: {  	_ =	shalt  }
0x70: {  	_ =	shalt  }
0x71: {  	_ =	shalt  }
0x72: {  	_ =	shalt  }
0x73: {  	_ =	shalt  }
0x74: {  	_ =	shalt  }
0x75: {  	_ =	shalt  }
0x76: {  	_ =	shalt  }
0x77: {  	_ =	shalt  }
0x78: {  	_ =	shalt  }
0x79: {  	_ =	shalt  }
0x7a: {  	_ =	shalt  }
0x7b: {  	_ =	shalt  }
0x7c: {  	_ =	shalt  }
0x7d: {  	_ =	shalt  }
0x7e: {  	_ =	shalt  }
0x7f: {  	_ =	shalt  }
0x80: {  	_ =	shalt  }
0x81: {  	_ =	shalt  }
0x82: {  	_ =	shalt  }
0x83: {  	_ =	shalt  }
0x84: {  	_ =	shalt  }
0x85: {  	_ =	shalt  }
0x86: {  	_ =	shalt  }
0x87: {  	_ =	shalt  }
.Lfunc_end0:
.L_simem_size_0:
called_computation_lowered:
.L_overlay_start_0:
0x88: {  	s2 =	sld [smem:$0x3FD9]  }
0x89: {  	s3 =	sld [smem:$0x3FFE];
	_ =	sdelay $0x1  }
0x8a: {  	s1 =	srdreg.scid  }
0x8b: {  	s0 =	sand.u32 $0x1, s1  }
0x8c: {  	s17 =	sshll.u32 s0, $0xA;
	s2 =	sadd.s32 s3, s2  }
0x8d: {  	s2 =	sadd.s32 s2, s17  }
0x8e: {  	[smem:$0x3FBE] =	sst s2  }
0x8f: {  	_ = 	snop  }
0x90: {  	s2 =	sld [smem:$0x3FC9]  }
0x91: {  	s18 =	sld [smem:$0x3FD0];
	(tm) =	ssettm $0x1  }
0x92: {  	s4 =	sld [smem:$0x3FFB];
	_ =	sdelay $0x3  }
0x93: {  	_ =	strace s4  }
0x94: {  	s4 =	sld [smem:$0x3FFC];
	_ =	sdelay $0x3  }
0x95: {  	_ =	strace s4  }
0x96: {  	s4 =	sld [smem:$0x3FFD];
	_ =	sdelay $0x3  }
0x97: {  	_ =	strace s4  }
0x98: {  	_ =	strace $0x8FFFFFFF  }
0x99: {  	s19 =	sld [smem:$0x3FDB];
	_ =	sdelay $0x1  }
0x9a: {  	s5 =	simm.s32 $_scs_section_size  }
0x9b: {  	s6 =	simm.s32 $_size__tile_overlayer_lowered;
	s7 =	simm.s32 $_tile_overlayer_lowered  }
0x9c: {  	s22 =	simm.s32 $0x1BFF;
	s21 =	sshll.u32 s7, $0x1;
	s4 =	sadd.s32 s5, s19  }
0x9d: {  	s8 =	simm.s32 $0x0;
	s20 =	sshll.u32 s6, $0x1;
	s6 =	sadd.s32 s21, s4  }
0x9e: {  	[timem:s8], [sflag:s22] =	dma.local [hbm:s6], s20  }
0x9f: {  	_ =	swait.ge [sflag:s22], s20  }
0xa0: {  	s5 =	ssub.s32 $0x0, s20;
	[sflag:s22] =	ssyncset.done $0x0  }
0xa1: {  	[sflag:s22] =	ssyncadd.s32 s5;
	_ =	sdelay $0x1  }
0xa2: {  	s23 =	simm.s32 $0x1B8B  }
0xa3: {  	_ =	swait.ge [sflag:s23], $0x1  }
0xa4: {  	[sflag:s23] =	ssyncset.done $0x0  }
0xa5: {  	s25 =	simm.s32 $0x1B8E;
	s24 =	sld [smem:$0x3FFE];
	[sflag:s23] =	ssyncadd.s32 $0xFFFFFFFF  }
0xa6: {  	s26 =	simm.s32 $execute0_lowered;
	[smem:$0x3FD2] =	sst s25  }
0xa7: {  	s6 =	sshll.u32 s26, $0x1;
	_ =	strace $0x80000046;
	[dreg:$0x1] =	wrdreg $0xFFFFFFFF  }
0xa8: {  	s28 =	simm.s32 $_size_execute0_lowered;
	s4 =	sadd.s32 s4, s6;
	[dreg:$0x0] =	wrdreg $0x0  }
0xa9: {  	s6 =	sshll.u32 s28, $0x1;
	[dreg:$0x2] =	wrdreg s4  }
0xaa: {  	[dreg:$0x3] =	wrdreg s6  }
0xab: {  	[dreg:$0x4] =	wrdreg $0xC0  }
0xac: {  	_ =	task [dreg:s8], $0x5FFFF  }
0xad: {  	[dreg:$0x1] =	wrdreg $0xFFFFFFFF  }
0xae: {  	[dreg:$0x0] =	wrdreg $0x60  }
0xaf: {  	[dreg:$0x2] =	wrdreg s2  }
0xb0: {  	[dreg:$0x3] =	wrdreg s18  }
0xb1: {  	[dreg:$0x4] =	wrdreg s24  }
0xb2: {  	[dreg:$0x5] =	wrdreg $0x9  }
0xb3: {  	_ =	task.clear_ibuf [dreg:s8], $0x6FFFF;
	_ =	strace $0x90000046  }
0xb4: {  	s29 =	simm.s32 $0x9;
	_ =	strace $0x80000048  }
0xb5: {  	_ =	swait.ge [sflag:s29], $0x1  }
0xb6: {  	[sflag:s29] =	ssyncadd.s32 $0xFFFFFFFF  }
0xb7: {  	_ =	strace $0x90000048  }
0xb8: {  	_ =	sfence  }
0xb9: {  	s30 =	sld [smem:$0x0];
	_ =	sdelay $0x2  }
0xba: {  	s31 =	sshll.u32 s1, $0xD;
	s1 =	sshrl.u32 s1, $0x2  }
0xbb: {  	s3 =	sand.u32 $0x4000, s31;
	s1 =	sadd.s32 s1, s30  }
0xbc: {  	s0 =	sor.u32 s3, s0;
	s1 =	sshll.u32 s1, $0x11  }
0xbd: {  	s0 =	sor.u32 s1, s0  }
0xbe: {  	s0 =	sadd.s32 $0x8F2B, s0  }
0xbf: {  	[sflag:s0] =	ssyncadd.remote.s32 $0x1  }
0xc0: {  	_ =	sfence.sel $0xFFFF  }
0xc1: {  	[dreg:$0x0] =	wrdreg $0xFFFFFFFF;
	(pc) =	sbr.abs _section_cstart, $3  }
0xc2: {  	[dreg:$0x1] =	wrdreg $0xFFFFFFFF  }
0xc3: {  	_ =	task.clear_ibuf [dreg:s8], $0x2FFFF;
	_ =	strace $0x9FFFFFFF  }
0xc4: {  	(tm) =	ssettm $0x7FFFFFFF  }
0xc5: {  	_ =	shalt  }
tec
execute0_lowered:
.L_overlay_start_1:
0x0: {  	(tag) =	ssettag $0x1  }
0x1: {  	s1 =	rddreg [dreg:$0x0];
	s2 =	srdreg.scid  }
0x2: {  	s4 =	rddreg [dreg:$0x1];
	s0 =	stileid.u32;
	s16 =	sand.u32 $0x1, s2  }
0x3: {  	s18 =	rddreg [dreg:$0x2];
	s5 =	sshll.u32 s0, $0x5;
	s6 =	sshll.u32 s16, $0x4  }
0x4: {  	s3 =	simm.s32 $0x0;
	s2 =	rddreg [dreg:$0x3];
	s19 =	sor.u32 s6, s5  }
0x5: {  	[smem:$0x7FF] =	sst s3;
	s5 =	sshrl.u32 s19, $0x3  }
0x6: {  	_ =	strace $0x80000047;
	s5 =	sadd.s32 s4, s5;
	s4 =	simm.s32 $0x2  }
0x7: {  	[tilespmem:s3], [sflag:$0x2] =	stream.linear.gather [hbm4b:s5+s3], $0x10, $0x38;
	[tilespmem:$0x4100] =	vst v63  }
0x8: {  	_ =	swait.ge [sflag:s4], $0x10  }
0x9: {  	[sflag:s4] =	ssyncset.done $0x0  }
0xa: {  	[sflag:s4] =	ssyncadd.s32 $0xFFFFFFF0  }
0xb: {  	v1 =	vld [tilespmem:$0x0]  }
0xc: {  	v3 =	vlaneseq.u32;
	s6 =	sand.u32 $0xF0, s19  }
0xd: {  	v2 =	vmul.u32 $0x8, v3;
	v0 =	vmov s6  }
0xe: {  	v0 =	vshll.u32 v0, $0x3  }
0xf: {  	v0 =	vor.u32 v2, v0  }
0x10: {  	v4 =	vadd.s32 v0, v1  }
0x11: {  	v2 =	vshll.u32 v4, $0x3  }
0x12: {  	v5 =	vand.u32 $0x7, v1;
	v2 =	vand.u32 $0xFFFFFFC0, v2  }
0x13: {  	v6 =	vshrl.u32 v3, $0x3;
	v1 =	vand.u32 $0x7, v3;
	v5 =	vor.u32 v5, v2  }
0x14: {  	v2 =	vmul.u32 $0x8, v6;
	v63 =	vperm.xlane v5, v1;
	_ =	sdelay $0x1  }
0x15: {  	v6 =	vadd.s32 v2, v63;
	_ =	sdelay $0x3  }
0x16: {  	vm0 =	vmmov $0xffff;
	s6 =	simm.s32 $0x100;
	[tilespmem:$0x80] =	vst v4  }
0x17: {  	v3 =	vor.u32 $0x8, v3;
	[tilespmem:s6], [sflag:$0x1] =	stream.indirect_vreg.gather [hbm4b:s1+s3], $0x80, v6, vm0, $0xb8;
	[tilespmem:$0x4100] =	vst v63  }
0x18: {  	s8 =	simm.s32 $0x900;
	s7 =	sadd.s32 $0x100, s1;
	v4 =	vperm.xlane v5, v3  }
0x19: {  	[tilespmem:s8], [sflag:$0x1] =	stream.indirect_vreg.gather [hbm4b:s7+s3], $0x80, v6, vm0, $0xb8;
	[tilespmem:$0x4100] =	vst v63  }
0x1a: {  	s10 =	simm.s32 $0x1100;
	s9 =	sadd.s32 $0x200, s1;
	v4 =	vadd.s32 v2, v4  }
0x1b: {  	[tilespmem:s10], [sflag:$0x1] =	stream.indirect_vreg.gather [hbm4b:s9+s3], $0x80, v6, vm0, $0xb8;
	[tilespmem:$0x4100] =	vst v63  }
0x1c: {  	s12 =	simm.s32 $0x1900;
	s11 =	sadd.s32 $0x300, s1  }
0x1d: {  	[tilespmem:s12], [sflag:$0x1] =	stream.indirect_vreg.gather [hbm4b:s11+s3], $0x80, v6, vm0, $0xb8;
	[tilespmem:$0x4100] =	vst v63  }
0x1e: {  	s13 =	simm.s32 $0x2100;
	s20 =	ssub.s32 $0x2, s16  }
0x1f: {  	[tilespmem:s13], [sflag:$0x1] =	stream.indirect_vreg.gather [hbm4b:s1+s3], $0x80, v4, vm0, $0xb8;
	[tilespmem:$0x4100] =	vst v63  }
0x20: {  	s14 =	simm.s32 $0x2900;
	s15 =	simm.s32 $0x3100;
	s21 =	sshrl.u32 s20, $0x1  }
0x21: {  	[tilespmem:s14], [sflag:$0x1] =	stream.indirect_vreg.gather [hbm4b:s7+s3], $0x80, v4, vm0, $0xb8;
	[tilespmem:$0x4100] =	vst v63  }
0x22: {  	s17 =	simm.s32 $0x1;
	s19 =	sshll.u32 s19, $0x7;
	s31 =	ssub.s32 s20, s21  }
0x23: {  	[tilespmem:s15], [sflag:$0x1] =	stream.indirect_vreg.gather [hbm4b:s9+s3], $0x80, v4, vm0, $0xb8;
	[tilespmem:$0x4100] =	vst v63  }
0x24: {  	s16 =	simm.s32 $0x3900;
	s18 =	sadd.s32 s19, s18;
	s19 =	smax.u32 s31, $0x1  }
0x25: {  	[tilespmem:s16], [sflag:$0x1] =	stream.indirect_vreg.gather [hbm4b:s11+s3], $0x80, v4, vm0, $0xb8;
	[tilespmem:$0x4100] =	vst v63  }
0x26: {  	p0 =	sne.s32 s19, $0x1;
	_ =	swait.ge [sflag:s17], $0x4000  }
.Ltmp0:
0x27: {  	[sflag:s17] =	ssyncset.done $0x0;
	(pc) =	sbr.rel @!p0 .LBB2_2-.Ltmp0, $4  }
0x28: {  	s18 =	sadd.s32 $0x2000, s18;
	[sflag:s17] =	ssyncadd.s32 $0xFFFFC000  }
0x29: {  	[hbm4b:s18+s3] =	stream.linear.scatter [tilespmem:s6], [sflag:$0x2], $0x4000, $0x38;
	[tilespmem:$0x4100] =	vst v63  }
0x2a: {  	_ =	swait.ge [sflag:s4], $0x4000  }
0x2b: {  	s19 =	sadd.s32 $0xFFFFFFFF, s19;
	[sflag:s4] =	ssyncset.done $0x0  }
.LBB2_1:
0x2c: {  	p0 =	sne.s32 s19, $0x1;
	s19 =	sadd.s32 $0xFFFFFFFF, s19;
	[sflag:s4] =	ssyncadd.s32 $0xFFFFC000  }
0x2d: {  	[tilespmem:s3], [sflag:$0x2] =	stream.linear.gather [hbm4b:s5+s3], $0x10, $0x38;
	[tilespmem:$0x4100] =	vst v63  }
0x2e: {  	_ =	swait.ge [sflag:s4], $0x10  }
0x2f: {  	[sflag:s4] =	ssyncset.done $0x0  }
0x30: {  	[sflag:s4] =	ssyncadd.s32 $0xFFFFFFF0  }
0x31: {  	v4 =	vld [tilespmem:$0x0];
	_ =	sdelay $0x4  }
0x32: {  	v5 =	vadd.s32 v0, v4  }
0x33: {  	v6 =	vshll.u32 v5, $0x3  }
0x34: {  	v4 =	vand.u32 $0x7, v4;
	v6 =	vand.u32 $0xFFFFFFC0, v6  }
0x35: {  	v4 =	vor.u32 v4, v6  }
0x36: {  	v6 =	vperm.xlane v4, v1;
	v4 =	vperm.xlane v4, v3;
	_ =	sdelay $0x1  }
0x37: {  	v6 =	vadd.s32 v2, v6;
	_ =	sdelay $0x3  }
0x38: {  	[tilespmem:$0x80] =	vst v5  }
0x39: {  	[tilespmem:s6], [sflag:$0x1] =	stream.indirect_vreg.gather [hbm4b:s1+s3], $0x80, v6, vm0, $0xb8;
	[tilespmem:$0x4100] =	vst v63  }
0x3a: {  	_ = 	snop  }
0x3b: {  	[tilespmem:s8], [sflag:$0x1] =	stream.indirect_vreg.gather [hbm4b:s7+s3], $0x80, v6, vm0, $0xb8;
	[tilespmem:$0x4100] =	vst v63  }
0x3c: {  	v4 =	vadd.s32 v2, v4  }
0x3d: {  	[tilespmem:s10], [sflag:$0x1] =	stream.indirect_vreg.gather [hbm4b:s9+s3], $0x80, v6, vm0, $0xb8;
	[tilespmem:$0x4100] =	vst v63  }
0x3e: {  	_ = 	snop  }
0x3f: {  	[tilespmem:s12], [sflag:$0x1] =	stream.indirect_vreg.gather [hbm4b:s11+s3], $0x80, v6, vm0, $0xb8;
	[tilespmem:$0x4100] =	vst v63  }
0x40: {  	_ = 	snop  }
0x41: {  	[tilespmem:s13], [sflag:$0x1] =	stream.indirect_vreg.gather [hbm4b:s1+s3], $0x80, v4, vm0, $0xb8;
	[tilespmem:$0x4100] =	vst v63  }
0x42: {  	_ = 	snop  }
0x43: {  	[tilespmem:s14], [sflag:$0x1] =	stream.indirect_vreg.gather [hbm4b:s7+s3], $0x80, v4, vm0, $0xb8;
	[tilespmem:$0x4100] =	vst v63  }
0x44: {  	_ = 	snop  }
0x45: {  	[tilespmem:s15], [sflag:$0x1] =	stream.indirect_vreg.gather [hbm4b:s9+s3], $0x80, v4, vm0, $0xb8;
	[tilespmem:$0x4100] =	vst v63  }
0x46: {  	_ = 	snop  }
0x47: {  	[tilespmem:s16], [sflag:$0x1] =	stream.indirect_vreg.gather [hbm4b:s11+s3], $0x80, v4, vm0, $0xb8;
	[tilespmem:$0x4100] =	vst v63  }
0x48: {  	_ =	swait.ge [sflag:s17], $0x4000  }
.Ltmp1:
0x49: {  	[sflag:s17] =	ssyncset.done $0x0;
	(pc) =	sbr.rel @p0 .LBB2_1-.Ltmp1, $4  }
0x4a: {  	[sflag:s17] =	ssyncadd.s32 $0xFFFFC000  }
0x4b: {  	[hbm4b:s18+s3] =	stream.linear.scatter [tilespmem:s6], [sflag:$0x2], $0x4000, $0x38;
	[tilespmem:$0x4100] =	vst v63  }
0x4c: {  	_ =	swait.ge [sflag:s4], $0x4000  }
0x4d: {  	[sflag:s4] =	ssyncset.done $0x0  }
.LBB2_2:
0x4e: {  	[sflag:s4] =	ssyncadd.s32 $0xFFFFC000  }
0x4f: {  	_ =	sfence.sel $0x180000  }
0x50: {  	[bflag:$0x0] =	sbarrier.arrive $0xFFFF  }
0x51: {  	p0 =	sne.s32 s0, $0x0;
	_ =	strace $0x90000047  }
0x52: {  	s0 =	sadd.s32 @!p0 $0x100000, s2;
	[bflag:$0x2] =	sbarrier.arrive $0xFFFF  }
0x53: {  	[sflag:s0] =	ssyncadd.tile.s32 @!p0 $0x1;
	_ =	shalt  }
.Lfunc_end2:
_tile_overlayer_lowered:
.L_overlay_start_2:
0x54: {  	(tag) =	ssettag $0x2  }
0x55: {  	s0 =	rddreg [dreg:$0x0];
	s2 =	stileid.u32  }
0x56: {  	s1 =	rddreg [dreg:$0x1];
	p0 =	sne.s32 s2, $0x0  }
0x57: {  	s3 =	rddreg [dreg:$0x2];
	[bflag:$0x3] =	sbarrier.arrive $0xFFFF;
	s2 =	simm.s32 @!p0 $0x1C02  }
0x58: {  	[timem:s3], [sflag:s2] =	dma.local @!p0 [hbm:s0], s1  }
0x59: {  	s0 =	simm.s32 @!p0 $0x2  }
0x5a: {  	_ =	swait.ge @!p0 [sflag:s0], s1  }
0x5b: {  	s1 =	ssub.s32 @!p0 $0x0, s1;
	[sflag:s0] =	ssyncset.done @!p0 $0x0  }
0x5c: {  	[sflag:s0] =	ssyncadd.s32 @!p0 s1  }
0x5d: {  	[bflag:$0x3] =	sbarrier.arrive $0xFFFF  }
0x5e: {  	_ =	shalt  }

</sc_bundles>
